<compile_context>
chip_gen: v7x
topology: tpu7x:2x2x1
jax: 0.10.2.dev20260603
libtpu: 0.0.44.dev20260713+nightly
codegen_flags: <defaults>
</compile_context>

<pallas_src>
import functools

import jax
import jax.numpy as jnp
from jax import lax
from jax.experimental import pallas as pl
from jax.experimental.pallas import tpu as pltpu
from jax.experimental.pallas import tpu_sc as plsc

_NBINS = (128, 64, 32)
_SUM_H = sum(_NBINS)
_SUM_W = sum(n - 1 for n in _NBINS)
_N = 131072
_G_OI = 4096
_F = 512
_BL0 = 256

_NC = 2
_NS = 16
_NW = _NC * _NS
_NH = _N
_PER_W = _NH // _NW
_C = 64
_CHUNKS = _PER_W // _C

_GB = 4096


def _lane_cumsum(v, width):
    s = 1
    z = jnp.zeros_like(v)
    while s < width:
        v = v + jnp.concatenate([z[:, :s], v[:, :-s]], axis=-1)
        s *= 2
    return v


def _prep_body(goi_smem, hw_ref, ww_ref, out_ref, buf_uh, buf_uw, sem1, sem2):
    def fire(g, carry):
        idx = goi_smem[g]
        pltpu.make_async_copy(hw_ref.at[pl.ds(idx, 1), :],
                              buf_uh.at[pl.ds(g, 1), :], sem1).start()
        pltpu.make_async_copy(ww_ref.at[pl.ds(idx, 1), :],
                              buf_uw.at[pl.ds(g, 1), :], sem2).start()
        return carry

    lax.fori_loop(0, _GB, fire, 0)
    pltpu.make_async_copy(hw_ref.at[pl.ds(0, _GB), :], buf_uh, sem1).wait()
    pltpu.make_async_copy(ww_ref.at[pl.ds(0, _GB), :], buf_uw, sem2).wait()

    out_ref[:, 0:_SUM_H] = buf_uh[:, :]
    uw = buf_uw[:, :]
    hoff = 0
    woff = 0
    zero1 = jnp.zeros((_GB, 1), jnp.float32)
    one1 = jnp.ones((_GB, 1), jnp.float32)
    for K in _NBINS:
        Km1 = K - 1
        eu = jnp.exp(uw[:, woff:woff + Km1])
        cs = _lane_cumsum(eu, Km1)
        s = cs[:, Km1 - 1:Km1]
        binloc = jnp.concatenate(
            [zero1, cs[:, :Km1 - 1] / s, one1], axis=-1)
        out_ref[:, _BL0 + hoff:_BL0 + hoff + K] = binloc
        hoff += K
        woff += Km1


def _prep_call(goi, hw, ww):
    return pl.pallas_call(
        _prep_body,
        grid_spec=pltpu.PrefetchScalarGridSpec(
            num_scalar_prefetch=1,
            grid=(_G_OI // _GB,),
            in_specs=[
                pl.BlockSpec(memory_space=pl.ANY),
                pl.BlockSpec(memory_space=pl.ANY),
            ],
            out_specs=pl.BlockSpec((_GB, _F), lambda i, g: (i, 0)),
            scratch_shapes=[
                pltpu.VMEM((_GB, _SUM_H), jnp.float32),
                pltpu.VMEM((_GB, _SUM_W), jnp.float32),
                pltpu.SemaphoreType.DMA,
                pltpu.SemaphoreType.DMA,
            ],
        ),
        out_shape=jax.ShapeDtypeStruct((_G_OI, _F), jnp.float32),
    )(goi, hw, ww)


def _sc_gather(half, lgi_hbm, tab_hbm, rows_out,
               lgi_all, rows_v0, rows_v1, g0, g1, o0, o1):
    wid = lax.axis_index("s") * _NC + lax.axis_index("c")
    base = wid * _PER_W
    in_base = half * _NH + base
    npair = _CHUNKS // 2

    pltpu.sync_copy(lgi_hbm.at[pl.ds(in_base, _PER_W)], lgi_all)

    def idx(c):
        return lgi_all.at[pl.ds(c * _C, _C)]

    pltpu.async_copy(tab_hbm.at[idx(0)], rows_v0, g0)

    def pair(i, carry):
        c0 = 2 * i
        off0 = base + c0 * _C
        off1 = off0 + _C
        pltpu.make_async_copy(tab_hbm.at[idx(c0)], rows_v0, g0).wait()
        pltpu.async_copy(rows_v0, rows_out.at[pl.ds(off0, _C)], o0)

        @pl.when(i > 0)
        def _():
            pltpu.make_async_copy(rows_v1, rows_out.at[pl.ds(off1, _C)],
                                  o1).wait()

        pltpu.async_copy(tab_hbm.at[idx(c0 + 1)], rows_v1, g1)

        @pl.when(i < npair - 1)
        def _():
            pltpu.make_async_copy(rows_v0, rows_out.at[pl.ds(off0, _C)],
                                  o0).wait()
            pltpu.async_copy(tab_hbm.at[idx(c0 + 2)], rows_v0, g0)

        pltpu.make_async_copy(tab_hbm.at[idx(c0 + 1)], rows_v1, g1).wait()
        pltpu.async_copy(rows_v1, rows_out.at[pl.ds(off1, _C)], o1)
        return carry

    lax.fori_loop(0, npair, pair, 0)
    last1 = base + (_CHUNKS - 1) * _C
    pltpu.make_async_copy(rows_v0, rows_out.at[pl.ds(base, _C)], o0).wait()
    pltpu.make_async_copy(rows_v1, rows_out.at[pl.ds(last1, _C)], o1).wait()


@functools.lru_cache(maxsize=2)
def _sc_gather_call(half):
    return pl.kernel(
        functools.partial(_sc_gather, half),
        out_type=jax.ShapeDtypeStruct((_NH, _F), jnp.float32),
        mesh=plsc.VectorSubcoreMesh(core_axis_name="c", subcore_axis_name="s"),
        scratch_types=[
            pltpu.VMEM((_PER_W,), jnp.int32),
            pltpu.VMEM((_C, _F), jnp.float32),
            pltpu.VMEM((_C, _F), jnp.float32),
            pltpu.SemaphoreType.DMA,
            pltpu.SemaphoreType.DMA,
            pltpu.SemaphoreType.DMA,
            pltpu.SemaphoreType.DMA,
        ],
    )


_B = 512


def _tc_body(x_ref, delta_ref, fp_ref, out_ref, lad_ref):
    xcur = x_ref[:, 0:1]
    dprod = jnp.ones_like(xcur)
    zero1 = jnp.zeros((_B, 1), jnp.float32)
    one1 = jnp.ones((_B, 1), jnp.float32)
    hoff = 0
    for K in _NBINS:
        Km1 = K - 1
        bl = fp_ref[:, _BL0 + hoff:_BL0 + hoff + K]
        e = jnp.exp(fp_ref[:, hoff:hoff + K]
                    + delta_ref[:, hoff:hoff + K])
        blext = jnp.concatenate([bl[:, 1:K], one1], axis=-1)
        blshr = jnp.concatenate([zero1, bl[:, 0:Km1]], axis=-1)
        wp = blext - bl
        wq = bl - blshr
        r = e * (wp + wq)
        q = e * wq

        def red(v):
            return jnp.sum(v, axis=-1, keepdims=True)

        area = 0.5 * red(r)
        cnt = red((xcur >= bl).astype(jnp.float32))
        idx = jnp.clip(cnt.astype(jnp.int32) - 1, 0, Km1 - 1)
        iota = lax.broadcasted_iota(jnp.int32, (_B, K), 1)
        m_eq = iota == idx
        m_lt = iota < idx
        m_eq1 = iota == idx + 1
        zk = jnp.zeros((_B, K), jnp.float32)
        pref = 0.5 * red(jnp.where(m_lt, r, zk) + jnp.where(m_eq, q, zk))
        el = red(jnp.where(m_eq, e, zk))
        er = red(jnp.where(m_eq1, e, zk))
        bl_sel = red(jnp.where(m_eq, bl, zk))
        w_sel = red(jnp.where(m_eq, wp, zk))
        inv_area = 1.0 / area
        elh = el * inv_area
        erh = er * inv_area
        cdf_sel = pref * inv_area
        hdiff = erh - elh
        alpha = (xcur - bl_sel) / w_sel
        xnew = w_sel * alpha * (0.5 * hdiff * alpha + elh) + cdf_sel
        xcur = jnp.clip(xnew, 0.0, 1.0)
        dprod = dprod * (alpha * hdiff + elh)
        hoff += K
    out_ref[:, :] = xcur
    lad_ref[:, :] = jnp.log(dprod)


def _tc_call(x2, delta, fused_pts, half):
    grid = (_NH // _B,)
    boff = half * (_NH // _B)
    return pl.pallas_call(
        _tc_body,
        grid=grid,
        in_specs=[
            pl.BlockSpec((_B, 1), lambda i: (i + boff, 0)),
            pl.BlockSpec((_B, _SUM_H), lambda i: (i + boff, 0)),
            pl.BlockSpec((_B, _F), lambda i: (i, 0)),
        ],
        out_specs=[
            pl.BlockSpec((_B, 1), lambda i: (i, 0)),
            pl.BlockSpec((_B, 1), lambda i: (i, 0)),
        ],
        out_shape=[
            jax.ShapeDtypeStruct((_NH, 1), jnp.float32),
            jax.ShapeDtypeStruct((_NH, 1), jnp.float32),
        ],
    )(x2, delta, fused_pts)


def kernel(x, genes_oi, local_gene_ix, delta, heights_weight, widths_weight):
    fused_tab = _prep_call(genes_oi, heights_weight, widths_weight)
    x2 = x.reshape(_N, 1)
    pts0 = _sc_gather_call(0)(local_gene_ix, fused_tab)
    out0, lad0 = _tc_call(x2, delta, pts0, 0)
    return out0.reshape(_N), lad0.reshape(_N)

# --- scband reference (transcript-rebuilt; emitter-appended) ---
"""Pipeline reference for scband-differential-quadratic-spline-stack-3178275799614 (READ-ONLY COPY).

The authoritative reference and input builder live on the scoring server;
editing this copy changes nothing except your own understanding.
"""

import jax, jax.numpy as jnp
import numpy as np

NBINS = (128, 64, 32)
N_GENES = 100000
N_POINTS = 131072
N_GENES_OI = 4096
SUM_H = sum(NBINS)
SUM_W = sum(n - 1 for n in NBINS)


def _pad_cum(vals):
    c = jnp.cumsum(vals, axis=-1)
    c = c.at[..., -1].set(1.0)
    zeros = jnp.zeros(c.shape[:-1] + (1,), dtype=c.dtype)
    return jnp.concatenate([zeros, c], axis=-1)


def quadratic_spline(inputs, widths, heights, bin_left_cdf, bin_locations, inverse=False):
    grid = bin_left_cdf if inverse else bin_locations
    bin_idx = jnp.sum(inputs[..., None] >= grid, axis=-1) - 1
    bin_idx = jnp.clip(bin_idx, 0, widths.shape[-1] - 1)
    idx = bin_idx[..., None]
    input_bin_locations = jnp.take_along_axis(bin_locations, idx, axis=-1)[..., 0]
    input_bin_left_cdf = jnp.take_along_axis(bin_left_cdf, idx, axis=-1)[..., 0]
    input_left_heights = jnp.take_along_axis(heights, idx, axis=-1)[..., 0]
    input_right_heights = jnp.take_along_axis(heights, idx + 1, axis=-1)[..., 0]
    input_widths = jnp.take_along_axis(widths, idx, axis=-1)[..., 0]
    a = 0.5 * (input_right_heights - input_left_heights) * input_widths
    b = input_left_heights * input_widths
    c = input_bin_left_cdf
    alpha = (inputs - input_bin_locations) / input_widths
    outputs = a * alpha ** 2 + b * alpha + c
    logabsdet = jnp.log(alpha * (input_right_heights - input_left_heights) + input_left_heights)
    outputs = jnp.clip(outputs, 0.0, 1.0)
    return outputs, logabsdet


def setup_inputs(seed: int = 0):
    key = jax.random.key(seed)
    ks = jax.random.split(key, 6)
    x = jax.random.uniform(ks[0], (N_POINTS,), dtype=jnp.float32)
    genes_oi = jax.random.randint(ks[1], (N_GENES_OI,), 0, N_GENES, dtype=jnp.int32)
    local_gene_ix = jax.random.randint(ks[2], (N_POINTS,), 0, N_GENES_OI, dtype=jnp.int32)
    delta = jax.random.normal(ks[3], (N_POINTS, SUM_H), dtype=jnp.float32)
    heights_weight = jax.random.normal(ks[4], (N_GENES, SUM_H), dtype=jnp.float32) * 0.05
    widths_weight = jax.random.normal(ks[5], (N_GENES, SUM_W), dtype=jnp.float32) * 0.05
    return {"x": x, "genes_oi": genes_oi, "local_gene_ix": local_gene_ix, "delta": delta,
            "heights_weight": heights_weight, "widths_weight": widths_weight}


def reference(x, genes_oi, local_gene_ix, delta, heights_weight, widths_weight):
    # EmbeddingTensor lookup: gather rows for the genes of interest
    unnormalized_heights_all = jnp.take(heights_weight, genes_oi, axis=0)  # [G, sum(nbins)]
    unnormalized_widths_all = jnp.take(widths_weight, genes_oi, axis=0)    # [G, sum(nbins)-len(nbins)]
    h_splits = list(np.cumsum(NBINS)[:-1])
    w_splits = list(np.cumsum([n - 1 for n in NBINS])[:-1])
    uh_list = jnp.split(unnormalized_heights_all, h_splits, axis=-1)
    uw_list = jnp.split(unnormalized_widths_all, w_splits, axis=-1)
    dh_list = jnp.split(delta, h_splits, axis=-1)
    outputs = x
    logabsdet = None
    for uh, uw, dh in zip(uh_list, uw_list, dh_list):
        widths = jax.nn.softmax(uw, axis=-1)                     # [G, K-1]
        bin_locations = _pad_cum(widths)                          # [G, K]
        widths_n = jnp.take(widths, local_gene_ix, axis=0)        # [N, K-1]
        bin_locations_n = jnp.take(bin_locations, local_gene_ix, axis=0)  # [N, K]
        uh_n = jnp.take(uh, local_gene_ix, axis=0) + dh           # [N, K]
        e = jnp.exp(uh_n)
        area = jnp.sum(((e[..., :-1] + e[..., 1:]) / 2.0) * widths_n, axis=-1, keepdims=True)
        heights = e / area                                        # [N, K]
        bin_left_cdf = _pad_cum(((heights[..., :-1] + heights[..., 1:]) / 2.0) * widths_n)
        outputs, lad = quadratic_spline(outputs, widths_n, heights, bin_left_cdf, bin_locations_n, inverse=False)
        logabsdet = lad if logabsdet is None else logabsdet + lad
    return outputs, logabsdet

if __name__ == "__main__":
    import jax
    _d = setup_inputs()
    print(jax.jit(kernel)(*tuple(_d.values())))

</pallas_src>

<mosaic_0001>
#map = affine_map<(d0, d1) -> (0)>
#map1 = affine_map<(d0, d1) -> (0, 0)>
module attributes {stable_mosaic.version = 14 : i64} {
  func.func @_sc_gather(%arg0: i32, %arg1: i32, %arg2: memref<131072xi32, #tpu.memory_space<hbm>>, %arg3: memref<4096x512xf32, #tpu.memory_space<hbm>>, %arg4: memref<131072x512xf32, #tpu.memory_space<hbm>>, %arg5: memref<4096xi32, #tpu.memory_space<vmem>>, %arg6: memref<64x512xf32, #tpu.memory_space<vmem>>, %arg7: memref<64x512xf32, #tpu.memory_space<vmem>>, %arg8: memref<!tpu.dma_semaphore, #tpu.memory_space<semaphore_mem>>, %arg9: memref<!tpu.dma_semaphore, #tpu.memory_space<semaphore_mem>>, %arg10: memref<!tpu.dma_semaphore, #tpu.memory_space<semaphore_mem>>, %arg11: memref<!tpu.dma_semaphore, #tpu.memory_space<semaphore_mem>>) attributes {dimension_semantics = [#tpu.dimension_semantics<core_parallel>, #tpu.dimension_semantics<subcore_parallel>], iteration_bounds = array<i64: 2, 16>, scalar_prefetch = 0 : i64, scratch_operands = 7 : i64, tpu.core_type = #tpu.core_type<sc_vector_subcore>, window_params = [{transform_indices = #map}, {transform_indices = #map1}, {transform_indices = #map1}]} {
    %mul3A = arith.constant 2 : i32
    %mul3A_0 = arith.muli %arg1, %mul3A : i32
    %add3A = arith.addi %mul3A_0, %arg0 : i32
    %mul3A_1 = arith.constant 4096 : i32
    %mul3A_2 = arith.muli %add3A, %mul3A_1 : i32
    %add3A_3 = arith.constant 0 : i32
    %add3A_4 = arith.addi %add3A_3, %mul3A_2 : i32
    "tpu.region"() ({
      %run_scoped3A = tpu.sem_alloc : memref<!tpu.dma_semaphore, #tpu.memory_space<semaphore_mem>>
      %dma_start3A_23 = tpu.memref_slice %arg2[%add3A_4] : memref<131072xi32, #tpu.memory_space<hbm>> -> memref<4096xi32, #tpu.memory_space<hbm>>
      %dma_start3A_24 = tpu.memref_slice %arg2[%add3A_4] : memref<131072xi32, #tpu.memory_space<hbm>> -> memref<4096xi32, #tpu.memory_space<hbm>>
      tpu.enqueue_dma source(%dma_start3A_24 : memref<4096xi32, #tpu.memory_space<hbm>>) target(%arg5 : memref<4096xi32, #tpu.memory_space<vmem>>) target_semaphore(%run_scoped3A : memref<!tpu.dma_semaphore, #tpu.memory_space<semaphore_mem>>)
      %dma_wait3A_25 = tpu.memref_slice %arg2[%add3A_4] : memref<131072xi32, #tpu.memory_space<hbm>> -> memref<4096xi32, #tpu.memory_space<hbm>>
      %dma_wait3A_26 = tpu.memref_slice %arg2[%add3A_4] : memref<131072xi32, #tpu.memory_space<hbm>> -> memref<4096xi32, #tpu.memory_space<hbm>>
      tpu.wait_dma2 semaphore(%run_scoped3A : memref<!tpu.dma_semaphore, #tpu.memory_space<semaphore_mem>>) src(%dma_wait3A_26 : memref<4096xi32, #tpu.memory_space<hbm>>) dst(%arg5 : memref<4096xi32, #tpu.memory_space<vmem>>)
      tpu.yield
    }) : () -> ()
    %dma_start3A = arith.constant 0 : i32
    %dma_start3A_5 = tpu.memref_slice %arg5[%dma_start3A] : memref<4096xi32, #tpu.memory_space<vmem>> -> memref<64xi32, #tpu.memory_space<vmem>>
    %dma_start3A_6 = arith.constant 0 : i32
    %dma_start3A_7 = arith.constant 0 : i32
    %dma_start3A_8 = tpu.memref_slice %arg3[%dma_start3A_6, %dma_start3A_7] : memref<4096x512xf32, #tpu.memory_space<hbm>> -> memref<4096x512xf32, #tpu.memory_space<hbm>>
    tpu.enqueue_indirect_dma source(%dma_start3A_8 : memref<4096x512xf32, #tpu.memory_space<hbm>>) target(%arg6 : memref<64x512xf32, #tpu.memory_space<vmem>>) offsets(%dma_start3A_5 : memref<64xi32, #tpu.memory_space<vmem>>) semaphore(%arg8 : memref<!tpu.dma_semaphore, #tpu.memory_space<semaphore_mem>>)
    %scan3A = arith.constant 0 : i32
    %scan3A_9 = arith.constant 0 : i32
    %scan3A_10 = arith.constant 32 : i32
    %scan3A_11 = arith.addi %scan3A_9, %scan3A_10 : i32
    %scan3A_12 = arith.constant 1 : i32
    scf.for %scan3A_23 = %scan3A_9 to %scan3A_11 step %scan3A_12  : i32 {
      %mul3A_24 = arith.constant 2 : i32
      %mul3A_25 = arith.muli %mul3A_24, %scan3A_23 : i32
      %mul3A_26 = arith.constant 64 : i32
      %mul3A_27 = arith.muli %mul3A_25, %mul3A_26 : i32
      %add3A_28 = arith.addi %mul3A_2, %mul3A_27 : i32
      %add3A_29 = arith.constant 64 : i32
      %add3A_30 = arith.addi %add3A_28, %add3A_29 : i32
      %mul3A_31 = arith.constant 64 : i32
      %mul3A_32 = arith.muli %mul3A_25, %mul3A_31 : i32
      %dma_wait3A_33 = tpu.memref_slice %arg5[%mul3A_32] : memref<4096xi32, #tpu.memory_space<vmem>> -> memref<64xi32, #tpu.memory_space<vmem>>
      %dma_wait3A_34 = arith.constant 0 : i32
      %dma_wait3A_35 = arith.constant 0 : i32
      %dma_wait3A_36 = tpu.memref_slice %arg3[%dma_wait3A_34, %dma_wait3A_35] : memref<4096x512xf32, #tpu.memory_space<hbm>> -> memref<4096x512xf32, #tpu.memory_space<hbm>>
      tpu.wait_indirect_dma semaphore(%arg8 : memref<!tpu.dma_semaphore, #tpu.memory_space<semaphore_mem>>) src(%dma_wait3A_36 : memref<4096x512xf32, #tpu.memory_space<hbm>>) dst(%arg6 : memref<64x512xf32, #tpu.memory_space<vmem>>)
      %dma_start3A_37 = arith.constant 0 : i32
      %dma_start3A_38 = tpu.memref_slice %arg4[%add3A_28, %dma_start3A_37] : memref<131072x512xf32, #tpu.memory_space<hbm>> -> memref<64x512xf32, #tpu.memory_space<hbm>>
      %dma_start3A_39 = arith.constant 0 : i32
      %dma_start3A_40 = tpu.memref_slice %arg4[%add3A_28, %dma_start3A_39] : memref<131072x512xf32, #tpu.memory_space<hbm>> -> memref<64x512xf32, #tpu.memory_space<hbm>>
      tpu.enqueue_dma source(%arg6 : memref<64x512xf32, #tpu.memory_space<vmem>>) target(%dma_start3A_40 : memref<64x512xf32, #tpu.memory_space<hbm>>) target_semaphore(%arg10 : memref<!tpu.dma_semaphore, #tpu.memory_space<semaphore_mem>>)
      %gt3A = arith.constant 0 : i32
      %gt3A_41 = arith.cmpi sgt, %scan3A_23, %gt3A : i32
      %convert_element_type3A = arith.extui %gt3A_41 : i1 to i32
      %cond3A = arith.constant 0 : i32
      %cond3A_42 = arith.cmpi ne, %convert_element_type3A, %cond3A : i32
      scf.if %cond3A_42 {
        %dma_wait3A_67 = arith.constant 0 : i32
        %dma_wait3A_68 = tpu.memref_slice %arg4[%add3A_30, %dma_wait3A_67] : memref<131072x512xf32, #tpu.memory_space<hbm>> -> memref<64x512xf32, #tpu.memory_space<hbm>>
        %dma_wait3A_69 = arith.constant 0 : i32
        %dma_wait3A_70 = tpu.memref_slice %arg4[%add3A_30, %dma_wait3A_69] : memref<131072x512xf32, #tpu.memory_space<hbm>> -> memref<64x512xf32, #tpu.memory_space<hbm>>
        tpu.wait_dma2 semaphore(%arg11 : memref<!tpu.dma_semaphore, #tpu.memory_space<semaphore_mem>>) src(%arg7 : memref<64x512xf32, #tpu.memory_space<vmem>>) dst(%dma_wait3A_70 : memref<64x512xf32, #tpu.memory_space<hbm>>)
      } else {
      }
      %add3A_43 = arith.constant 1 : i32
      %add3A_44 = arith.addi %mul3A_25, %add3A_43 : i32
      %mul3A_45 = arith.constant 64 : i32
      %mul3A_46 = arith.muli %add3A_44, %mul3A_45 : i32
      %dma_start3A_47 = tpu.memref_slice %arg5[%mul3A_46] : memref<4096xi32, #tpu.memory_space<vmem>> -> memref<64xi32, #tpu.memory_space<vmem>>
      %dma_start3A_48 = arith.constant 0 : i32
      %dma_start3A_49 = arith.constant 0 : i32
      %dma_start3A_50 = tpu.memref_slice %arg3[%dma_start3A_48, %dma_start3A_49] : memref<4096x512xf32, #tpu.memory_space<hbm>> -> memref<4096x512xf32, #tpu.memory_space<hbm>>
      tpu.enqueue_indirect_dma source(%dma_start3A_50 : memref<4096x512xf32, #tpu.memory_space<hbm>>) target(%arg7 : memref<64x512xf32, #tpu.memory_space<vmem>>) offsets(%dma_start3A_47 : memref<64xi32, #tpu.memory_space<vmem>>) semaphore(%arg9 : memref<!tpu.dma_semaphore, #tpu.memory_space<semaphore_mem>>)
      %lt3A = arith.constant 31 : i32
      %lt3A_51 = arith.cmpi slt, %scan3A_23, %lt3A : i32
      %convert_element_type3A_52 = arith.extui %lt3A_51 : i1 to i32
      %cond3A_53 = arith.constant 0 : i32
      %cond3A_54 = arith.cmpi ne, %convert_element_type3A_52, %cond3A_53 : i32
      scf.if %cond3A_54 {
        %dma_wait3A_67 = arith.constant 0 : i32
        %dma_wait3A_68 = tpu.memref_slice %arg4[%add3A_28, %dma_wait3A_67] : memref<131072x512xf32, #tpu.memory_space<hbm>> -> memref<64x512xf32, #tpu.memory_space<hbm>>
        %dma_wait3A_69 = arith.constant 0 : i32
        %dma_wait3A_70 = tpu.memref_slice %arg4[%add3A_28, %dma_wait3A_69] : memref<131072x512xf32, #tpu.memory_space<hbm>> -> memref<64x512xf32, #tpu.memory_space<hbm>>
        tpu.wait_dma2 semaphore(%arg10 : memref<!tpu.dma_semaphore, #tpu.memory_space<semaphore_mem>>) src(%arg6 : memref<64x512xf32, #tpu.memory_space<vmem>>) dst(%dma_wait3A_70 : memref<64x512xf32, #tpu.memory_space<hbm>>)
        %add3A_71 = arith.constant 2 : i32
        %add3A_72 = arith.addi %mul3A_25, %add3A_71 : i32
        %mul3A_73 = arith.constant 64 : i32
        %mul3A_74 = arith.muli %add3A_72, %mul3A_73 : i32
        %dma_start3A_75 = tpu.memref_slice %arg5[%mul3A_74] : memref<4096xi32, #tpu.memory_space<vmem>> -> memref<64xi32, #tpu.memory_space<vmem>>
        %dma_start3A_76 = arith.constant 0 : i32
        %dma_start3A_77 = arith.constant 0 : i32
        %dma_start3A_78 = tpu.memref_slice %arg3[%dma_start3A_76, %dma_start3A_77] : memref<4096x512xf32, #tpu.memory_space<hbm>> -> memref<4096x512xf32, #tpu.memory_space<hbm>>
        tpu.enqueue_indirect_dma source(%dma_start3A_78 : memref<4096x512xf32, #tpu.memory_space<hbm>>) target(%arg6 : memref<64x512xf32, #tpu.memory_space<vmem>>) offsets(%dma_start3A_75 : memref<64xi32, #tpu.memory_space<vmem>>) semaphore(%arg8 : memref<!tpu.dma_semaphore, #tpu.memory_space<semaphore_mem>>)
      } else {
      }
      %add3A_55 = arith.constant 1 : i32
      %add3A_56 = arith.addi %mul3A_25, %add3A_55 : i32
      %mul3A_57 = arith.constant 64 : i32
      %mul3A_58 = arith.muli %add3A_56, %mul3A_57 : i32
      %dma_wait3A_59 = tpu.memref_slice %arg5[%mul3A_58] : memref<4096xi32, #tpu.memory_space<vmem>> -> memref<64xi32, #tpu.memory_space<vmem>>
      %dma_wait3A_60 = arith.constant 0 : i32
      %dma_wait3A_61 = arith.constant 0 : i32
      %dma_wait3A_62 = tpu.memref_slice %arg3[%dma_wait3A_60, %dma_wait3A_61] : memref<4096x512xf32, #tpu.memory_space<hbm>> -> memref<4096x512xf32, #tpu.memory_space<hbm>>
      tpu.wait_indirect_dma semaphore(%arg9 : memref<!tpu.dma_semaphore, #tpu.memory_space<semaphore_mem>>) src(%dma_wait3A_62 : memref<4096x512xf32, #tpu.memory_space<hbm>>) dst(%arg7 : memref<64x512xf32, #tpu.memory_space<vmem>>)
      %dma_start3A_63 = arith.constant 0 : i32
      %dma_start3A_64 = tpu.memref_slice %arg4[%add3A_30, %dma_start3A_63] : memref<131072x512xf32, #tpu.memory_space<hbm>> -> memref<64x512xf32, #tpu.memory_space<hbm>>
      %dma_start3A_65 = arith.constant 0 : i32
      %dma_start3A_66 = tpu.memref_slice %arg4[%add3A_30, %dma_start3A_65] : memref<131072x512xf32, #tpu.memory_space<hbm>> -> memref<64x512xf32, #tpu.memory_space<hbm>>
      tpu.enqueue_dma source(%arg7 : memref<64x512xf32, #tpu.memory_space<vmem>>) target(%dma_start3A_66 : memref<64x512xf32, #tpu.memory_space<hbm>>) target_semaphore(%arg11 : memref<!tpu.dma_semaphore, #tpu.memory_space<semaphore_mem>>)
    }
    %scan3A_13 = arith.constant 32 : i32
    %add3A_14 = arith.constant 4032 : i32
    %add3A_15 = arith.addi %mul3A_2, %add3A_14 : i32
    %dma_wait3A = arith.constant 0 : i32
    %dma_wait3A_16 = tpu.memref_slice %arg4[%mul3A_2, %dma_wait3A] : memref<131072x512xf32, #tpu.memory_space<hbm>> -> memref<64x512xf32, #tpu.memory_space<hbm>>
    %dma_wait3A_17 = arith.constant 0 : i32
    %dma_wait3A_18 = tpu.memref_slice %arg4[%mul3A_2, %dma_wait3A_17] : memref<131072x512xf32, #tpu.memory_space<hbm>> -> memref<64x512xf32, #tpu.memory_space<hbm>>
    tpu.wait_dma2 semaphore(%arg10 : memref<!tpu.dma_semaphore, #tpu.memory_space<semaphore_mem>>) src(%arg6 : memref<64x512xf32, #tpu.memory_space<vmem>>) dst(%dma_wait3A_18 : memref<64x512xf32, #tpu.memory_space<hbm>>)
    %dma_wait3A_19 = arith.constant 0 : i32
    %dma_wait3A_20 = tpu.memref_slice %arg4[%add3A_15, %dma_wait3A_19] : memref<131072x512xf32, #tpu.memory_space<hbm>> -> memref<64x512xf32, #tpu.memory_space<hbm>>
    %dma_wait3A_21 = arith.constant 0 : i32
    %dma_wait3A_22 = tpu.memref_slice %arg4[%add3A_15, %dma_wait3A_21] : memref<131072x512xf32, #tpu.memory_space<hbm>> -> memref<64x512xf32, #tpu.memory_space<hbm>>
    tpu.wait_dma2 semaphore(%arg11 : memref<!tpu.dma_semaphore, #tpu.memory_space<semaphore_mem>>) src(%arg7 : memref<64x512xf32, #tpu.memory_space<vmem>>) dst(%dma_wait3A_22 : memref<64x512xf32, #tpu.memory_space<hbm>>)
    return
  }
}

module attributes {stable_mosaic.version = 14 : i64} {
  func.func @_prep_body(%arg0: i32, %arg1: memref<4096xi32, #tpu.memory_space<smem>>, %arg2: memref<100000x224xf32, #tpu.memory_space<any>>, %arg3: memref<100000x221xf32, #tpu.memory_space<any>>, %arg4: memref<4096x512xf32, #tpu.memory_space<vmem>>, %arg5: memref<4096x224xf32, #tpu.memory_space<vmem>>, %arg6: memref<4096x221xf32, #tpu.memory_space<vmem>>, %arg7: memref<!tpu.dma_semaphore, #tpu.memory_space<semaphore_mem>>, %arg8: memref<!tpu.dma_semaphore, #tpu.memory_space<semaphore_mem>>) attributes {dimension_semantics = [#tpu.dimension_semantics<arbitrary>], iteration_bounds = array<i64: 1>, scalar_prefetch = 1 : i64, scratch_operands = 4 : i64, tpu.core_type = #tpu.core_type<tc>, window_params = [{}, {}, {transform_indices = @transform_2, window_bounds = array<i64: 4096, 512>}]} {
    %scan3A = arith.constant 0 : i32
    %scan3A_0 = arith.constant 4096 : i32
    %scan3A_1 = arith.addi %scan3A, %scan3A_0 : i32
    %scan3A_2 = arith.constant 1 : i32
    scf.for %scan3A_122 = %scan3A to %scan3A_1 step %scan3A_2  : i32 {
      %get3A_123 = arith.index_cast %scan3A_122 : i32 to index
      %get3A_124 = memref.load %arg1[%get3A_123] : memref<4096xi32, #tpu.memory_space<smem>>
      %dma_start3A = arith.constant 0 : i32
      %dma_start3A_125 = tpu.memref_slice %arg5[%scan3A_122, %dma_start3A] : memref<4096x224xf32, #tpu.memory_space<vmem>> -> memref<1x224xf32, #tpu.memory_space<vmem>>
      %dma_start3A_126 = arith.constant 0 : i32
      %dma_start3A_127 = tpu.memref_slice %arg2[%get3A_124, %dma_start3A_126] : memref<100000x224xf32, #tpu.memory_space<any>> -> memref<1x224xf32, #tpu.memory_space<any>>
      tpu.enqueue_dma source(%dma_start3A_127 : memref<1x224xf32, #tpu.memory_space<any>>) target(%dma_start3A_125 : memref<1x224xf32, #tpu.memory_space<vmem>>) target_semaphore(%arg7 : memref<!tpu.dma_semaphore, #tpu.memory_space<semaphore_mem>>)
      %dma_start3A_128 = arith.constant 0 : i32
      %dma_start3A_129 = tpu.memref_slice %arg6[%scan3A_122, %dma_start3A_128] : memref<4096x221xf32, #tpu.memory_space<vmem>> -> memref<1x221xf32, #tpu.memory_space<vmem>>
      %dma_start3A_130 = arith.constant 0 : i32
      %dma_start3A_131 = tpu.memref_slice %arg3[%get3A_124, %dma_start3A_130] : memref<100000x221xf32, #tpu.memory_space<any>> -> memref<1x221xf32, #tpu.memory_space<any>>
      tpu.enqueue_dma source(%dma_start3A_131 : memref<1x221xf32, #tpu.memory_space<any>>) target(%dma_start3A_129 : memref<1x221xf32, #tpu.memory_space<vmem>>) target_semaphore(%arg8 : memref<!tpu.dma_semaphore, #tpu.memory_space<semaphore_mem>>)
    }
    %scan3A_3 = arith.constant 4096 : i32
    %dma_wait3A = arith.constant 0 : i32
    %dma_wait3A_4 = arith.constant 0 : i32
    %dma_wait3A_5 = tpu.memref_slice %arg2[%dma_wait3A, %dma_wait3A_4] : memref<100000x224xf32, #tpu.memory_space<any>> -> memref<4096x224xf32, #tpu.memory_space<any>>
    tpu.wait_dma2 semaphore(%arg7 : memref<!tpu.dma_semaphore, #tpu.memory_space<semaphore_mem>>) src(%dma_wait3A_5 : memref<4096x224xf32, #tpu.memory_space<any>>) dst(%arg5 : memref<4096x224xf32, #tpu.memory_space<vmem>>)
    %dma_wait3A_6 = arith.constant 0 : i32
    %dma_wait3A_7 = arith.constant 0 : i32
    %dma_wait3A_8 = tpu.memref_slice %arg3[%dma_wait3A_6, %dma_wait3A_7] : memref<100000x221xf32, #tpu.memory_space<any>> -> memref<4096x221xf32, #tpu.memory_space<any>>
    tpu.wait_dma2 semaphore(%arg8 : memref<!tpu.dma_semaphore, #tpu.memory_space<semaphore_mem>>) src(%dma_wait3A_8 : memref<4096x221xf32, #tpu.memory_space<any>>) dst(%arg6 : memref<4096x221xf32, #tpu.memory_space<vmem>>)
    %get3A = arith.constant 0 : index
    %get3A_9 = arith.constant 0 : index
    %get3A_10 = vector.load %arg5[%get3A, %get3A_9] : memref<4096x224xf32, #tpu.memory_space<vmem>>, vector<4096x224xf32>
    %swap3A = arith.constant 0 : index
    %swap3A_11 = arith.constant 0 : index
    %swap3A_12 = vector.load %arg4[%swap3A, %swap3A_11] : memref<4096x512xf32, #tpu.memory_space<vmem>>, vector<4096x224xf32>
    tpu.vector_store %arg4[%swap3A, %swap3A_11], %get3A_10 {strides = array<i32>} : memref<4096x512xf32, #tpu.memory_space<vmem>>, vector<4096x224xf32>,
    %get3A_13 = arith.constant 0 : index
    %get3A_14 = arith.constant 0 : index
    %get3A_15 = vector.load %arg6[%get3A_13, %get3A_14] : memref<4096x221xf32, #tpu.memory_space<vmem>>, vector<4096x221xf32>
    %broadcast_in_dim3A = arith.constant 0.000000e+00 : f32
    %broadcast_in_dim3A_16 = vector.broadcast %broadcast_in_dim3A : f32 to vector<4096x1xf32>
    %broadcast_in_dim3A_17 = arith.constant 1.000000e+00 : f32
    %broadcast_in_dim3A_18 = vector.broadcast %broadcast_in_dim3A_17 : f32 to vector<4096x1xf32>
    %slice3A = vector.extract_strided_slice %get3A_15 {offsets = [0, 0], sizes = [4096, 127], strides = [1, 1]} : vector<4096x221xf32> to vector<4096x127xf32>
    %exp3A = math.exp %slice3A : vector<4096x127xf32>
    %broadcast_in_dim3A_19 = arith.constant 0.000000e+00 : f32
    %broadcast_in_dim3A_20 = vector.broadcast %broadcast_in_dim3A_19 : f32 to vector<4096x127xf32>
    %slice3A_21 = vector.extract_strided_slice %broadcast_in_dim3A_20 {offsets = [0, 0], sizes = [4096, 1], strides = [1, 1]} : vector<4096x127xf32> to vector<4096x1xf32>
    %slice3A_22 = vector.extract_strided_slice %exp3A {offsets = [0, 0], sizes = [4096, 126], strides = [1, 1]} : vector<4096x127xf32> to vector<4096x126xf32>
    %concatenate3A = tpu.concatenate %slice3A_21, %slice3A_22 in 1 : vector<4096x1xf32>, vector<4096x126xf32> -> vector<4096x127xf32>
    %add3A = arith.addf %exp3A, %concatenate3A : vector<4096x127xf32>
    %slice3A_23 = vector.extract_strided_slice %broadcast_in_dim3A_20 {offsets = [0, 0], sizes = [4096, 2], strides = [1, 1]} : vector<4096x127xf32> to vector<4096x2xf32>
    %slice3A_24 = vector.extract_strided_slice %add3A {offsets = [0, 0], sizes = [4096, 125], strides = [1, 1]} : vector<4096x127xf32> to vector<4096x125xf32>
    %concatenate3A_25 = tpu.concatenate %slice3A_23, %slice3A_24 in 1 : vector<4096x2xf32>, vector<4096x125xf32> -> vector<4096x127xf32>
    %add3A_26 = arith.addf %add3A, %concatenate3A_25 : vector<4096x127xf32>
    %slice3A_27 = vector.extract_strided_slice %broadcast_in_dim3A_20 {offsets = [0, 0], sizes = [4096, 4], strides = [1, 1]} : vector<4096x127xf32> to vector<4096x4xf32>
    %slice3A_28 = vector.extract_strided_slice %add3A_26 {offsets = [0, 0], sizes = [4096, 123], strides = [1, 1]} : vector<4096x127xf32> to vector<4096x123xf32>
    %concatenate3A_29 = tpu.concatenate %slice3A_27, %slice3A_28 in 1 : vector<4096x4xf32>, vector<4096x123xf32> -> vector<4096x127xf32>
    %add3A_30 = arith.addf %add3A_26, %concatenate3A_29 : vector<4096x127xf32>
    %slice3A_31 = vector.extract_strided_slice %broadcast_in_dim3A_20 {offsets = [0, 0], sizes = [4096, 8], strides = [1, 1]} : vector<4096x127xf32> to vector<4096x8xf32>
    %slice3A_32 = vector.extract_strided_slice %add3A_30 {offsets = [0, 0], sizes = [4096, 119], strides = [1, 1]} : vector<4096x127xf32> to vector<4096x119xf32>
    %concatenate3A_33 = tpu.concatenate %slice3A_31, %slice3A_32 in 1 : vector<4096x8xf32>, vector<4096x119xf32> -> vector<4096x127xf32>
    %add3A_34 = arith.addf %add3A_30, %concatenate3A_33 : vector<4096x127xf32>
    %slice3A_35 = vector.extract_strided_slice %broadcast_in_dim3A_20 {offsets = [0, 0], sizes = [4096, 16], strides = [1, 1]} : vector<4096x127xf32> to vector<4096x16xf32>
    %slice3A_36 = vector.extract_strided_slice %add3A_34 {offsets = [0, 0], sizes = [4096, 111], strides = [1, 1]} : vector<4096x127xf32> to vector<4096x111xf32>
    %concatenate3A_37 = tpu.concatenate %slice3A_35, %slice3A_36 in 1 : vector<4096x16xf32>, vector<4096x111xf32> -> vector<4096x127xf32>
    %add3A_38 = arith.addf %add3A_34, %concatenate3A_37 : vector<4096x127xf32>
    %slice3A_39 = vector.extract_strided_slice %broadcast_in_dim3A_20 {offsets = [0, 0], sizes = [4096, 32], strides = [1, 1]} : vector<4096x127xf32> to vector<4096x32xf32>
    %slice3A_40 = vector.extract_strided_slice %add3A_38 {offsets = [0, 0], sizes = [4096, 95], strides = [1, 1]} : vector<4096x127xf32> to vector<4096x95xf32>
    %concatenate3A_41 = tpu.concatenate %slice3A_39, %slice3A_40 in 1 : vector<4096x32xf32>, vector<4096x95xf32> -> vector<4096x127xf32>
    %add3A_42 = arith.addf %add3A_38, %concatenate3A_41 : vector<4096x127xf32>
    %slice3A_43 = vector.extract_strided_slice %broadcast_in_dim3A_20 {offsets = [0, 0], sizes = [4096, 64], strides = [1, 1]} : vector<4096x127xf32> to vector<4096x64xf32>
    %slice3A_44 = vector.extract_strided_slice %add3A_42 {offsets = [0, 0], sizes = [4096, 63], strides = [1, 1]} : vector<4096x127xf32> to vector<4096x63xf32>
    %concatenate3A_45 = tpu.concatenate %slice3A_43, %slice3A_44 in 1 : vector<4096x64xf32>, vector<4096x63xf32> -> vector<4096x127xf32>
    %add3A_46 = arith.addf %add3A_42, %concatenate3A_45 : vector<4096x127xf32>
    %slice3A_47 = vector.extract_strided_slice %add3A_46 {offsets = [0, 126], sizes = [4096, 1], strides = [1, 1]} : vector<4096x127xf32> to vector<4096x1xf32>
    %slice3A_48 = vector.extract_strided_slice %add3A_46 {offsets = [0, 0], sizes = [4096, 126], strides = [1, 1]} : vector<4096x127xf32> to vector<4096x126xf32>
    %div3A = vector.broadcast %slice3A_47 : vector<4096x1xf32> to vector<4096x126xf32>
    %div3A_49 = arith.divf %slice3A_48, %div3A : vector<4096x126xf32>
    %concatenate3A_50 = tpu.concatenate %broadcast_in_dim3A_16, %div3A_49, %broadcast_in_dim3A_18 in 1 : vector<4096x1xf32>, vector<4096x126xf32>, vector<4096x1xf32> -> vector<4096x128xf32>
    %swap3A_51 = arith.constant 0 : index
    %swap3A_52 = arith.constant 256 : index
    %swap3A_53 = vector.load %arg4[%swap3A_51, %swap3A_52] : memref<4096x512xf32, #tpu.memory_space<vmem>>, vector<4096x128xf32>
    tpu.vector_store %arg4[%swap3A_51, %swap3A_52], %concatenate3A_50 {strides = array<i32>} : memref<4096x512xf32, #tpu.memory_space<vmem>>, vector<4096x128xf32>,
    %slice3A_54 = vector.extract_strided_slice %get3A_15 {offsets = [0, 127], sizes = [4096, 63], strides = [1, 1]} : vector<4096x221xf32> to vector<4096x63xf32>
    %exp3A_55 = math.exp %slice3A_54 : vector<4096x63xf32>
    %broadcast_in_dim3A_56 = arith.constant 0.000000e+00 : f32
    %broadcast_in_dim3A_57 = vector.broadcast %broadcast_in_dim3A_56 : f32 to vector<4096x63xf32>
    %slice3A_58 = vector.extract_strided_slice %broadcast_in_dim3A_57 {offsets = [0, 0], sizes = [4096, 1], strides = [1, 1]} : vector<4096x63xf32> to vector<4096x1xf32>
    %slice3A_59 = vector.extract_strided_slice %exp3A_55 {offsets = [0, 0], sizes = [4096, 62], strides = [1, 1]} : vector<4096x63xf32> to vector<4096x62xf32>
    %concatenate3A_60 = tpu.concatenate %slice3A_58, %slice3A_59 in 1 : vector<4096x1xf32>, vector<4096x62xf32> -> vector<4096x63xf32>
    %add3A_61 = arith.addf %exp3A_55, %concatenate3A_60 : vector<4096x63xf32>
    %slice3A_62 = vector.extract_strided_slice %broadcast_in_dim3A_57 {offsets = [0, 0], sizes = [4096, 2], strides = [1, 1]} : vector<4096x63xf32> to vector<4096x2xf32>
    %slice3A_63 = vector.extract_strided_slice %add3A_61 {offsets = [0, 0], sizes = [4096, 61], strides = [1, 1]} : vector<4096x63xf32> to vector<4096x61xf32>
    %concatenate3A_64 = tpu.concatenate %slice3A_62, %slice3A_63 in 1 : vector<4096x2xf32>, vector<4096x61xf32> -> vector<4096x63xf32>
    %add3A_65 = arith.addf %add3A_61, %concatenate3A_64 : vector<4096x63xf32>
    %slice3A_66 = vector.extract_strided_slice %broadcast_in_dim3A_57 {offsets = [0, 0], sizes = [4096, 4], strides = [1, 1]} : vector<4096x63xf32> to vector<4096x4xf32>
    %slice3A_67 = vector.extract_strided_slice %add3A_65 {offsets = [0, 0], sizes = [4096, 59], strides = [1, 1]} : vector<4096x63xf32> to vector<4096x59xf32>
    %concatenate3A_68 = tpu.concatenate %slice3A_66, %slice3A_67 in 1 : vector<4096x4xf32>, vector<4096x59xf32> -> vector<4096x63xf32>
    %add3A_69 = arith.addf %add3A_65, %concatenate3A_68 : vector<4096x63xf32>
    %slice3A_70 = vector.extract_strided_slice %broadcast_in_dim3A_57 {offsets = [0, 0], sizes = [4096, 8], strides = [1, 1]} : vector<4096x63xf32> to vector<4096x8xf32>
    %slice3A_71 = vector.extract_strided_slice %add3A_69 {offsets = [0, 0], sizes = [4096, 55], strides = [1, 1]} : vector<4096x63xf32> to vector<4096x55xf32>
    %concatenate3A_72 = tpu.concatenate %slice3A_70, %slice3A_71 in 1 : vector<4096x8xf32>, vector<4096x55xf32> -> vector<4096x63xf32>
    %add3A_73 = arith.addf %add3A_69, %concatenate3A_72 : vector<4096x63xf32>
    %slice3A_74 = vector.extract_strided_slice %broadcast_in_dim3A_57 {offsets = [0, 0], sizes = [4096, 16], strides = [1, 1]} : vector<4096x63xf32> to vector<4096x16xf32>
    %slice3A_75 = vector.extract_strided_slice %add3A_73 {offsets = [0, 0], sizes = [4096, 47], strides = [1, 1]} : vector<4096x63xf32> to vector<4096x47xf32>
    %concatenate3A_76 = tpu.concatenate %slice3A_74, %slice3A_75 in 1 : vector<4096x16xf32>, vector<4096x47xf32> -> vector<4096x63xf32>
    %add3A_77 = arith.addf %add3A_73, %concatenate3A_76 : vector<4096x63xf32>
    %slice3A_78 = vector.extract_strided_slice %broadcast_in_dim3A_57 {offsets = [0, 0], sizes = [4096, 32], strides = [1, 1]} : vector<4096x63xf32> to vector<4096x32xf32>
    %slice3A_79 = vector.extract_strided_slice %add3A_77 {offsets = [0, 0], sizes = [4096, 31], strides = [1, 1]} : vector<4096x63xf32> to vector<4096x31xf32>
    %concatenate3A_80 = tpu.concatenate %slice3A_78, %slice3A_79 in 1 : vector<4096x32xf32>, vector<4096x31xf32> -> vector<4096x63xf32>
    %add3A_81 = arith.addf %add3A_77, %concatenate3A_80 : vector<4096x63xf32>
    %slice3A_82 = vector.extract_strided_slice %add3A_81 {offsets = [0, 62], sizes = [4096, 1], strides = [1, 1]} : vector<4096x63xf32> to vector<4096x1xf32>
    %slice3A_83 = vector.extract_strided_slice %add3A_81 {offsets = [0, 0], sizes = [4096, 62], strides = [1, 1]} : vector<4096x63xf32> to vector<4096x62xf32>
    %div3A_84 = vector.broadcast %slice3A_82 : vector<4096x1xf32> to vector<4096x62xf32>
    %div3A_85 = arith.divf %slice3A_83, %div3A_84 : vector<4096x62xf32>
    %concatenate3A_86 = tpu.concatenate %broadcast_in_dim3A_16, %div3A_85, %broadcast_in_dim3A_18 in 1 : vector<4096x1xf32>, vector<4096x62xf32>, vector<4096x1xf32> -> vector<4096x64xf32>
    %swap3A_87 = arith.constant 0 : index
    %swap3A_88 = arith.constant 384 : index
    %swap3A_89 = vector.load %arg4[%swap3A_87, %swap3A_88] : memref<4096x512xf32, #tpu.memory_space<vmem>>, vector<4096x64xf32>
    tpu.vector_store %arg4[%swap3A_87, %swap3A_88], %concatenate3A_86 {strides = array<i32>} : memref<4096x512xf32, #tpu.memory_space<vmem>>, vector<4096x64xf32>,
    %slice3A_90 = vector.extract_strided_slice %get3A_15 {offsets = [0, 190], sizes = [4096, 31], strides = [1, 1]} : vector<4096x221xf32> to vector<4096x31xf32>
    %exp3A_91 = math.exp %slice3A_90 : vector<4096x31xf32>
    %broadcast_in_dim3A_92 = arith.constant 0.000000e+00 : f32
    %broadcast_in_dim3A_93 = vector.broadcast %broadcast_in_dim3A_92 : f32 to vector<4096x31xf32>
    %slice3A_94 = vector.extract_strided_slice %broadcast_in_dim3A_93 {offsets = [0, 0], sizes = [4096, 1], strides = [1, 1]} : vector<4096x31xf32> to vector<4096x1xf32>
    %slice3A_95 = vector.extract_strided_slice %exp3A_91 {offsets = [0, 0], sizes = [4096, 30], strides = [1, 1]} : vector<4096x31xf32> to vector<4096x30xf32>
    %concatenate3A_96 = tpu.concatenate %slice3A_94, %slice3A_95 in 1 : vector<4096x1xf32>, vector<4096x30xf32> -> vector<4096x31xf32>
    %add3A_97 = arith.addf %exp3A_91, %concatenate3A_96 : vector<4096x31xf32>
    %slice3A_98 = vector.extract_strided_slice %broadcast_in_dim3A_93 {offsets = [0, 0], sizes = [4096, 2], strides = [1, 1]} : vector<4096x31xf32> to vector<4096x2xf32>
    %slice3A_99 = vector.extract_strided_slice %add3A_97 {offsets = [0, 0], sizes = [4096, 29], strides = [1, 1]} : vector<4096x31xf32> to vector<4096x29xf32>
    %concatenate3A_100 = tpu.concatenate %slice3A_98, %slice3A_99 in 1 : vector<4096x2xf32>, vector<4096x29xf32> -> vector<4096x31xf32>
    %add3A_101 = arith.addf %add3A_97, %concatenate3A_100 : vector<4096x31xf32>
    %slice3A_102 = vector.extract_strided_slice %broadcast_in_dim3A_93 {offsets = [0, 0], sizes = [4096, 4], strides = [1, 1]} : vector<4096x31xf32> to vector<4096x4xf32>
    %slice3A_103 = vector.extract_strided_slice %add3A_101 {offsets = [0, 0], sizes = [4096, 27], strides = [1, 1]} : vector<4096x31xf32> to vector<4096x27xf32>
    %concatenate3A_104 = tpu.concatenate %slice3A_102, %slice3A_103 in 1 : vector<4096x4xf32>, vector<4096x27xf32> -> vector<4096x31xf32>
    %add3A_105 = arith.addf %add3A_101, %concatenate3A_104 : vector<4096x31xf32>
    %slice3A_106 = vector.extract_strided_slice %broadcast_in_dim3A_93 {offsets = [0, 0], sizes = [4096, 8], strides = [1, 1]} : vector<4096x31xf32> to vector<4096x8xf32>
    %slice3A_107 = vector.extract_strided_slice %add3A_105 {offsets = [0, 0], sizes = [4096, 23], strides = [1, 1]} : vector<4096x31xf32> to vector<4096x23xf32>
    %concatenate3A_108 = tpu.concatenate %slice3A_106, %slice3A_107 in 1 : vector<4096x8xf32>, vector<4096x23xf32> -> vector<4096x31xf32>
    %add3A_109 = arith.addf %add3A_105, %concatenate3A_108 : vector<4096x31xf32>
    %slice3A_110 = vector.extract_strided_slice %broadcast_in_dim3A_93 {offsets = [0, 0], sizes = [4096, 16], strides = [1, 1]} : vector<4096x31xf32> to vector<4096x16xf32>
    %slice3A_111 = vector.extract_strided_slice %add3A_109 {offsets = [0, 0], sizes = [4096, 15], strides = [1, 1]} : vector<4096x31xf32> to vector<4096x15xf32>
    %concatenate3A_112 = tpu.concatenate %slice3A_110, %slice3A_111 in 1 : vector<4096x16xf32>, vector<4096x15xf32> -> vector<4096x31xf32>
    %add3A_113 = arith.addf %add3A_109, %concatenate3A_112 : vector<4096x31xf32>
    %slice3A_114 = vector.extract_strided_slice %add3A_113 {offsets = [0, 30], sizes = [4096, 1], strides = [1, 1]} : vector<4096x31xf32> to vector<4096x1xf32>
    %slice3A_115 = vector.extract_strided_slice %add3A_113 {offsets = [0, 0], sizes = [4096, 30], strides = [1, 1]} : vector<4096x31xf32> to vector<4096x30xf32>
    %div3A_116 = vector.broadcast %slice3A_114 : vector<4096x1xf32> to vector<4096x30xf32>
    %div3A_117 = arith.divf %slice3A_115, %div3A_116 : vector<4096x30xf32>
    %concatenate3A_118 = tpu.concatenate %broadcast_in_dim3A_16, %div3A_117, %broadcast_in_dim3A_18 in 1 : vector<4096x1xf32>, vector<4096x30xf32>, vector<4096x1xf32> -> vector<4096x32xf32>
    %swap3A_119 = arith.constant 0 : index
    %swap3A_120 = arith.constant 448 : index
    %swap3A_121 = vector.load %arg4[%swap3A_119, %swap3A_120] : memref<4096x512xf32, #tpu.memory_space<vmem>>, vector<4096x32xf32>
    tpu.vector_store %arg4[%swap3A_119, %swap3A_120], %concatenate3A_118 {strides = array<i32>} : memref<4096x512xf32, #tpu.memory_space<vmem>>, vector<4096x32xf32>,
    return
  }
  func.func @transform_2(%arg0: i32, %arg1: memref<4096xi32, #tpu.memory_space<smem>>) -> (i32, i32) {
    %c0_i32 = arith.constant 0 : i32
    %c0_i32_0 = arith.constant 0 : i32
    return %arg0, %c0_i32 : i32, i32
  }
}

module attributes {stable_mosaic.version = 14 : i64} {
  func.func @_tc_body(%arg0: i32, %arg1: memref<512x1xf32, #tpu.memory_space<vmem>>, %arg2: memref<512x224xf32, #tpu.memory_space<vmem>>, %arg3: memref<512x512xf32, #tpu.memory_space<vmem>>, %arg4: memref<512x1xf32, #tpu.memory_space<vmem>>, %arg5: memref<512x1xf32, #tpu.memory_space<vmem>>) attributes {dimension_semantics = [#tpu.dimension_semantics<arbitrary>], iteration_bounds = array<i64: 256>, scalar_prefetch = 0 : i64, scratch_operands = 0 : i64, tpu.core_type = #tpu.core_type<tc>, window_params = [{transform_indices = @transform_0, window_bounds = array<i64: 512, 1>}, {transform_indices = @transform_1, window_bounds = array<i64: 512, 224>}, {transform_indices = @transform_2, window_bounds = array<i64: 512, 512>}, {transform_indices = @transform_3, window_bounds = array<i64: 512, 1>}, {transform_indices = @transform_4, window_bounds = array<i64: 512, 1>}]} {
    %get3A = arith.constant 0 : index
    %get3A_0 = arith.constant 0 : index
    %get3A_1 = vector.load %arg1[%get3A, %get3A_0] : memref<512x1xf32, #tpu.memory_space<vmem>>, vector<512x1xf32>
    %broadcast_in_dim3A = arith.constant 1.000000e+00 : f32
    %broadcast_in_dim3A_2 = vector.broadcast %broadcast_in_dim3A : f32 to vector<512x1xf32>
    %broadcast_in_dim3A_3 = arith.constant 0.000000e+00 : f32
    %broadcast_in_dim3A_4 = vector.broadcast %broadcast_in_dim3A_3 : f32 to vector<512x1xf32>
    %broadcast_in_dim3A_5 = arith.constant 1.000000e+00 : f32
    %broadcast_in_dim3A_6 = vector.broadcast %broadcast_in_dim3A_5 : f32 to vector<512x1xf32>
    %get3A_7 = arith.constant 0 : index
    %get3A_8 = arith.constant 256 : index
    %get3A_9 = vector.load %arg3[%get3A_7, %get3A_8] : memref<512x512xf32, #tpu.memory_space<vmem>>, vector<512x128xf32>
    %get3A_10 = arith.constant 0 : index
    %get3A_11 = arith.constant 0 : index
    %get3A_12 = vector.load %arg3[%get3A_10, %get3A_11] : memref<512x512xf32, #tpu.memory_space<vmem>>, vector<512x128xf32>
    %get3A_13 = arith.constant 0 : index
    %get3A_14 = arith.constant 0 : index
    %get3A_15 = vector.load %arg2[%get3A_13, %get3A_14] : memref<512x224xf32, #tpu.memory_space<vmem>>, vector<512x128xf32>
    %add3A = arith.addf %get3A_12, %get3A_15 : vector<512x128xf32>
    %exp3A = math.exp %add3A : vector<512x128xf32>
    %slice3A = vector.extract_strided_slice %get3A_9 {offsets = [0, 1], sizes = [512, 127], strides = [1, 1]} : vector<512x128xf32> to vector<512x127xf32>
    %concatenate3A = tpu.concatenate %slice3A, %broadcast_in_dim3A_6 in 1 : vector<512x127xf32>, vector<512x1xf32> -> vector<512x128xf32>
    %slice3A_16 = vector.extract_strided_slice %get3A_9 {offsets = [0, 0], sizes = [512, 127], strides = [1, 1]} : vector<512x128xf32> to vector<512x127xf32>
    %concatenate3A_17 = tpu.concatenate %broadcast_in_dim3A_4, %slice3A_16 in 1 : vector<512x1xf32>, vector<512x127xf32> -> vector<512x128xf32>
    %sub3A = arith.subf %concatenate3A, %get3A_9 : vector<512x128xf32>
    %sub3A_18 = arith.subf %get3A_9, %concatenate3A_17 : vector<512x128xf32>
    %add3A_19 = arith.addf %sub3A, %sub3A_18 : vector<512x128xf32>
    %mul3A = arith.mulf %exp3A, %add3A_19 : vector<512x128xf32>
    %mul3A_20 = arith.mulf %exp3A, %sub3A_18 : vector<512x128xf32>
    %reduce_sum3A = arith.constant dense<0.000000e+00> : vector<512xf32>
    %reduce_sum3A_21 = vector.multi_reduction <add>, %mul3A, %reduce_sum3A [1] : vector<512x128xf32> to vector<512xf32>
    %broadcast_in_dim3A_22 = vector.shape_cast %reduce_sum3A_21 : vector<512xf32> to vector<512x1xf32>
    %mul3A_23 = arith.constant 5.000000e-01 : f32
    %mul3A_24 = vector.broadcast %mul3A_23 : f32 to vector<512x1xf32>
    %mul3A_25 = arith.mulf %mul3A_24, %broadcast_in_dim3A_22 : vector<512x1xf32>
    %ge3A = vector.broadcast %get3A_1 : vector<512x1xf32> to vector<512x128xf32>
    %ge3A_26 = arith.cmpf oge, %ge3A, %get3A_9 : vector<512x128xf32>
    %convert_element_type3A = arith.extui %ge3A_26 : vector<512x128xi1> to vector<512x128xi32>
    %convert_element_type3A_27 = arith.sitofp %convert_element_type3A : vector<512x128xi32> to vector<512x128xf32>
    %reduce_sum3A_28 = arith.constant dense<0.000000e+00> : vector<512xf32>
    %reduce_sum3A_29 = vector.multi_reduction <add>, %convert_element_type3A_27, %reduce_sum3A_28 [1] : vector<512x128xf32> to vector<512xf32>
    %broadcast_in_dim3A_30 = vector.shape_cast %reduce_sum3A_29 : vector<512xf32> to vector<512x1xf32>
    %convert_element_type3A_31 = arith.fptosi %broadcast_in_dim3A_30 : vector<512x1xf32> to vector<512x1xi32>
    %sub3A_32 = arith.constant 1 : i32
    %sub3A_33 = vector.broadcast %sub3A_32 : i32 to vector<512x1xi32>
    %sub3A_34 = arith.subi %convert_element_type3A_31, %sub3A_33 : vector<512x1xi32>
    %jit3A = arith.constant 0 : i32
    %jit3A_35 = arith.constant 126 : i32
    %max3A = vector.broadcast %jit3A : i32 to vector<512x1xi32>
    %max3A_36 = arith.maxsi %max3A, %sub3A_34 : vector<512x1xi32>
    %min3A = vector.broadcast %jit3A_35 : i32 to vector<512x1xi32>
    %min3A_37 = arith.minsi %min3A, %max3A_36 : vector<512x1xi32>
    %iota3A = tpu.iota {dimensions = array<i32: 1>} : vector<512x128xi32>
    %eq3A = vector.broadcast %min3A_37 : vector<512x1xi32> to vector<512x128xi32>
    %eq3A_38 = arith.cmpi eq, %iota3A, %eq3A : vector<512x128xi32>
    %lt3A = vector.broadcast %min3A_37 : vector<512x1xi32> to vector<512x128xi32>
    %lt3A_39 = arith.cmpi slt, %iota3A, %lt3A : vector<512x128xi32>
    %add3A_40 = arith.constant 1 : i32
    %add3A_41 = vector.broadcast %add3A_40 : i32 to vector<512x1xi32>
    %add3A_42 = arith.addi %min3A_37, %add3A_41 : vector<512x1xi32>
    %eq3A_43 = vector.broadcast %add3A_42 : vector<512x1xi32> to vector<512x128xi32>
    %eq3A_44 = arith.cmpi eq, %iota3A, %eq3A_43 : vector<512x128xi32>
    %broadcast_in_dim3A_45 = arith.constant 0.000000e+00 : f32
    %broadcast_in_dim3A_46 = vector.broadcast %broadcast_in_dim3A_45 : f32 to vector<512x128xf32>
    %select_n3A = arith.select %lt3A_39, %mul3A, %broadcast_in_dim3A_46 : vector<512x128xi1>, vector<512x128xf32>
    %select_n3A_47 = arith.select %eq3A_38, %mul3A_20, %broadcast_in_dim3A_46 : vector<512x128xi1>, vector<512x128xf32>
    %add3A_48 = arith.addf %select_n3A, %select_n3A_47 : vector<512x128xf32>
    %reduce_sum3A_49 = arith.constant dense<0.000000e+00> : vector<512xf32>
    %reduce_sum3A_50 = vector.multi_reduction <add>, %add3A_48, %reduce_sum3A_49 [1] : vector<512x128xf32> to vector<512xf32>
    %broadcast_in_dim3A_51 = vector.shape_cast %reduce_sum3A_50 : vector<512xf32> to vector<512x1xf32>
    %mul3A_52 = arith.constant 5.000000e-01 : f32
    %mul3A_53 = vector.broadcast %mul3A_52 : f32 to vector<512x1xf32>
    %mul3A_54 = arith.mulf %mul3A_53, %broadcast_in_dim3A_51 : vector<512x1xf32>
    %select_n3A_55 = arith.select %eq3A_38, %exp3A, %broadcast_in_dim3A_46 : vector<512x128xi1>, vector<512x128xf32>
    %reduce_sum3A_56 = arith.constant dense<0.000000e+00> : vector<512xf32>
    %reduce_sum3A_57 = vector.multi_reduction <add>, %select_n3A_55, %reduce_sum3A_56 [1] : vector<512x128xf32> to vector<512xf32>
    %broadcast_in_dim3A_58 = vector.shape_cast %reduce_sum3A_57 : vector<512xf32> to vector<512x1xf32>
    %select_n3A_59 = arith.select %eq3A_44, %exp3A, %broadcast_in_dim3A_46 : vector<512x128xi1>, vector<512x128xf32>
    %reduce_sum3A_60 = arith.constant dense<0.000000e+00> : vector<512xf32>
    %reduce_sum3A_61 = vector.multi_reduction <add>, %select_n3A_59, %reduce_sum3A_60 [1] : vector<512x128xf32> to vector<512xf32>
    %broadcast_in_dim3A_62 = vector.shape_cast %reduce_sum3A_61 : vector<512xf32> to vector<512x1xf32>
    %select_n3A_63 = arith.select %eq3A_38, %get3A_9, %broadcast_in_dim3A_46 : vector<512x128xi1>, vector<512x128xf32>
    %reduce_sum3A_64 = arith.constant dense<0.000000e+00> : vector<512xf32>
    %reduce_sum3A_65 = vector.multi_reduction <add>, %select_n3A_63, %reduce_sum3A_64 [1] : vector<512x128xf32> to vector<512xf32>
    %broadcast_in_dim3A_66 = vector.shape_cast %reduce_sum3A_65 : vector<512xf32> to vector<512x1xf32>
    %select_n3A_67 = arith.select %eq3A_38, %sub3A, %broadcast_in_dim3A_46 : vector<512x128xi1>, vector<512x128xf32>
    %reduce_sum3A_68 = arith.constant dense<0.000000e+00> : vector<512xf32>
    %reduce_sum3A_69 = vector.multi_reduction <add>, %select_n3A_67, %reduce_sum3A_68 [1] : vector<512x128xf32> to vector<512xf32>
    %broadcast_in_dim3A_70 = vector.shape_cast %reduce_sum3A_69 : vector<512xf32> to vector<512x1xf32>
    %div3A = arith.constant 1.000000e+00 : f32
    %div3A_71 = vector.broadcast %div3A : f32 to vector<512x1xf32>
    %div3A_72 = arith.divf %div3A_71, %mul3A_25 : vector<512x1xf32>
    %mul3A_73 = arith.mulf %broadcast_in_dim3A_58, %div3A_72 : vector<512x1xf32>
    %mul3A_74 = arith.mulf %broadcast_in_dim3A_62, %div3A_72 : vector<512x1xf32>
    %mul3A_75 = arith.mulf %mul3A_54, %div3A_72 : vector<512x1xf32>
    %sub3A_76 = arith.subf %mul3A_74, %mul3A_73 : vector<512x1xf32>
    %sub3A_77 = arith.subf %get3A_1, %broadcast_in_dim3A_66 : vector<512x1xf32>
    %div3A_78 = arith.divf %sub3A_77, %broadcast_in_dim3A_70 : vector<512x1xf32>
    %mul3A_79 = arith.mulf %broadcast_in_dim3A_70, %div3A_78 : vector<512x1xf32>
    %mul3A_80 = arith.constant 5.000000e-01 : f32
    %mul3A_81 = vector.broadcast %mul3A_80 : f32 to vector<512x1xf32>
    %mul3A_82 = arith.mulf %mul3A_81, %sub3A_76 : vector<512x1xf32>
    %mul3A_83 = arith.mulf %mul3A_82, %div3A_78 : vector<512x1xf32>
    %add3A_84 = arith.addf %mul3A_83, %mul3A_73 : vector<512x1xf32>
    %mul3A_85 = arith.mulf %mul3A_79, %add3A_84 : vector<512x1xf32>
    %add3A_86 = arith.addf %mul3A_85, %mul3A_75 : vector<512x1xf32>
    %jit3A_87 = arith.constant 0.000000e+00 : f32
    %jit3A_88 = arith.constant 1.000000e+00 : f32
    %max3A_89 = vector.broadcast %jit3A_87 : f32 to vector<512x1xf32>
    %max3A_90 = arith.maximumf %max3A_89, %add3A_86 : vector<512x1xf32>
    %min3A_91 = vector.broadcast %jit3A_88 : f32 to vector<512x1xf32>
    %min3A_92 = arith.minimumf %min3A_91, %max3A_90 : vector<512x1xf32>
    %mul3A_93 = arith.mulf %div3A_78, %sub3A_76 : vector<512x1xf32>
    %add3A_94 = arith.addf %mul3A_93, %mul3A_73 : vector<512x1xf32>
    %mul3A_95 = arith.mulf %broadcast_in_dim3A_2, %add3A_94 : vector<512x1xf32>
    %get3A_96 = arith.constant 0 : index
    %get3A_97 = arith.constant 384 : index
    %get3A_98 = vector.load %arg3[%get3A_96, %get3A_97] : memref<512x512xf32, #tpu.memory_space<vmem>>, vector<512x64xf32>
    %get3A_99 = arith.constant 0 : index
    %get3A_100 = arith.constant 128 : index
    %get3A_101 = vector.load %arg3[%get3A_99, %get3A_100] : memref<512x512xf32, #tpu.memory_space<vmem>>, vector<512x64xf32>
    %get3A_102 = arith.constant 0 : index
    %get3A_103 = arith.constant 128 : index
    %get3A_104 = vector.load %arg2[%get3A_102, %get3A_103] : memref<512x224xf32, #tpu.memory_space<vmem>>, vector<512x64xf32>
    %add3A_105 = arith.addf %get3A_101, %get3A_104 : vector<512x64xf32>
    %exp3A_106 = math.exp %add3A_105 : vector<512x64xf32>
    %slice3A_107 = vector.extract_strided_slice %get3A_98 {offsets = [0, 1], sizes = [512, 63], strides = [1, 1]} : vector<512x64xf32> to vector<512x63xf32>
    %concatenate3A_108 = tpu.concatenate %slice3A_107, %broadcast_in_dim3A_6 in 1 : vector<512x63xf32>, vector<512x1xf32> -> vector<512x64xf32>
    %slice3A_109 = vector.extract_strided_slice %get3A_98 {offsets = [0, 0], sizes = [512, 63], strides = [1, 1]} : vector<512x64xf32> to vector<512x63xf32>
    %concatenate3A_110 = tpu.concatenate %broadcast_in_dim3A_4, %slice3A_109 in 1 : vector<512x1xf32>, vector<512x63xf32> -> vector<512x64xf32>
    %sub3A_111 = arith.subf %concatenate3A_108, %get3A_98 : vector<512x64xf32>
    %sub3A_112 = arith.subf %get3A_98, %concatenate3A_110 : vector<512x64xf32>
    %add3A_113 = arith.addf %sub3A_111, %sub3A_112 : vector<512x64xf32>
    %mul3A_114 = arith.mulf %exp3A_106, %add3A_113 : vector<512x64xf32>
    %mul3A_115 = arith.mulf %exp3A_106, %sub3A_112 : vector<512x64xf32>
    %reduce_sum3A_116 = arith.constant dense<0.000000e+00> : vector<512xf32>
    %reduce_sum3A_117 = vector.multi_reduction <add>, %mul3A_114, %reduce_sum3A_116 [1] : vector<512x64xf32> to vector<512xf32>
    %broadcast_in_dim3A_118 = vector.shape_cast %reduce_sum3A_117 : vector<512xf32> to vector<512x1xf32>
    %mul3A_119 = arith.constant 5.000000e-01 : f32
    %mul3A_120 = vector.broadcast %mul3A_119 : f32 to vector<512x1xf32>
    %mul3A_121 = arith.mulf %mul3A_120, %broadcast_in_dim3A_118 : vector<512x1xf32>
    %ge3A_122 = vector.broadcast %min3A_92 : vector<512x1xf32> to vector<512x64xf32>
    %ge3A_123 = arith.cmpf oge, %ge3A_122, %get3A_98 : vector<512x64xf32>
    %convert_element_type3A_124 = arith.extui %ge3A_123 : vector<512x64xi1> to vector<512x64xi32>
    %convert_element_type3A_125 = arith.sitofp %convert_element_type3A_124 : vector<512x64xi32> to vector<512x64xf32>
    %reduce_sum3A_126 = arith.constant dense<0.000000e+00> : vector<512xf32>
    %reduce_sum3A_127 = vector.multi_reduction <add>, %convert_element_type3A_125, %reduce_sum3A_126 [1] : vector<512x64xf32> to vector<512xf32>
    %broadcast_in_dim3A_128 = vector.shape_cast %reduce_sum3A_127 : vector<512xf32> to vector<512x1xf32>
    %convert_element_type3A_129 = arith.fptosi %broadcast_in_dim3A_128 : vector<512x1xf32> to vector<512x1xi32>
    %sub3A_130 = arith.constant 1 : i32
    %sub3A_131 = vector.broadcast %sub3A_130 : i32 to vector<512x1xi32>
    %sub3A_132 = arith.subi %convert_element_type3A_129, %sub3A_131 : vector<512x1xi32>
    %jit3A_133 = arith.constant 0 : i32
    %jit3A_134 = arith.constant 62 : i32
    %max3A_135 = vector.broadcast %jit3A_133 : i32 to vector<512x1xi32>
    %max3A_136 = arith.maxsi %max3A_135, %sub3A_132 : vector<512x1xi32>
    %min3A_137 = vector.broadcast %jit3A_134 : i32 to vector<512x1xi32>
    %min3A_138 = arith.minsi %min3A_137, %max3A_136 : vector<512x1xi32>
    %iota3A_139 = tpu.iota {dimensions = array<i32: 1>} : vector<512x64xi32>
    %eq3A_140 = vector.broadcast %min3A_138 : vector<512x1xi32> to vector<512x64xi32>
    %eq3A_141 = arith.cmpi eq, %iota3A_139, %eq3A_140 : vector<512x64xi32>
    %lt3A_142 = vector.broadcast %min3A_138 : vector<512x1xi32> to vector<512x64xi32>
    %lt3A_143 = arith.cmpi slt, %iota3A_139, %lt3A_142 : vector<512x64xi32>
    %add3A_144 = arith.constant 1 : i32
    %add3A_145 = vector.broadcast %add3A_144 : i32 to vector<512x1xi32>
    %add3A_146 = arith.addi %min3A_138, %add3A_145 : vector<512x1xi32>
    %eq3A_147 = vector.broadcast %add3A_146 : vector<512x1xi32> to vector<512x64xi32>
    %eq3A_148 = arith.cmpi eq, %iota3A_139, %eq3A_147 : vector<512x64xi32>
    %broadcast_in_dim3A_149 = arith.constant 0.000000e+00 : f32
    %broadcast_in_dim3A_150 = vector.broadcast %broadcast_in_dim3A_149 : f32 to vector<512x64xf32>
    %select_n3A_151 = arith.select %lt3A_143, %mul3A_114, %broadcast_in_dim3A_150 : vector<512x64xi1>, vector<512x64xf32>
    %select_n3A_152 = arith.select %eq3A_141, %mul3A_115, %broadcast_in_dim3A_150 : vector<512x64xi1>, vector<512x64xf32>
    %add3A_153 = arith.addf %select_n3A_151, %select_n3A_152 : vector<512x64xf32>
    %reduce_sum3A_154 = arith.constant dense<0.000000e+00> : vector<512xf32>
    %reduce_sum3A_155 = vector.multi_reduction <add>, %add3A_153, %reduce_sum3A_154 [1] : vector<512x64xf32> to vector<512xf32>
    %broadcast_in_dim3A_156 = vector.shape_cast %reduce_sum3A_155 : vector<512xf32> to vector<512x1xf32>
    %mul3A_157 = arith.constant 5.000000e-01 : f32
    %mul3A_158 = vector.broadcast %mul3A_157 : f32 to vector<512x1xf32>
    %mul3A_159 = arith.mulf %mul3A_158, %broadcast_in_dim3A_156 : vector<512x1xf32>
    %select_n3A_160 = arith.select %eq3A_141, %exp3A_106, %broadcast_in_dim3A_150 : vector<512x64xi1>, vector<512x64xf32>
    %reduce_sum3A_161 = arith.constant dense<0.000000e+00> : vector<512xf32>
    %reduce_sum3A_162 = vector.multi_reduction <add>, %select_n3A_160, %reduce_sum3A_161 [1] : vector<512x64xf32> to vector<512xf32>
    %broadcast_in_dim3A_163 = vector.shape_cast %reduce_sum3A_162 : vector<512xf32> to vector<512x1xf32>
    %select_n3A_164 = arith.select %eq3A_148, %exp3A_106, %broadcast_in_dim3A_150 : vector<512x64xi1>, vector<512x64xf32>
    %reduce_sum3A_165 = arith.constant dense<0.000000e+00> : vector<512xf32>
    %reduce_sum3A_166 = vector.multi_reduction <add>, %select_n3A_164, %reduce_sum3A_165 [1] : vector<512x64xf32> to vector<512xf32>
    %broadcast_in_dim3A_167 = vector.shape_cast %reduce_sum3A_166 : vector<512xf32> to vector<512x1xf32>
    %select_n3A_168 = arith.select %eq3A_141, %get3A_98, %broadcast_in_dim3A_150 : vector<512x64xi1>, vector<512x64xf32>
    %reduce_sum3A_169 = arith.constant dense<0.000000e+00> : vector<512xf32>
    %reduce_sum3A_170 = vector.multi_reduction <add>, %select_n3A_168, %reduce_sum3A_169 [1] : vector<512x64xf32> to vector<512xf32>
    %broadcast_in_dim3A_171 = vector.shape_cast %reduce_sum3A_170 : vector<512xf32> to vector<512x1xf32>
    %select_n3A_172 = arith.select %eq3A_141, %sub3A_111, %broadcast_in_dim3A_150 : vector<512x64xi1>, vector<512x64xf32>
    %reduce_sum3A_173 = arith.constant dense<0.000000e+00> : vector<512xf32>
    %reduce_sum3A_174 = vector.multi_reduction <add>, %select_n3A_172, %reduce_sum3A_173 [1] : vector<512x64xf32> to vector<512xf32>
    %broadcast_in_dim3A_175 = vector.shape_cast %reduce_sum3A_174 : vector<512xf32> to vector<512x1xf32>
    %div3A_176 = arith.constant 1.000000e+00 : f32
    %div3A_177 = vector.broadcast %div3A_176 : f32 to vector<512x1xf32>
    %div3A_178 = arith.divf %div3A_177, %mul3A_121 : vector<512x1xf32>
    %mul3A_179 = arith.mulf %broadcast_in_dim3A_163, %div3A_178 : vector<512x1xf32>
    %mul3A_180 = arith.mulf %broadcast_in_dim3A_167, %div3A_178 : vector<512x1xf32>
    %mul3A_181 = arith.mulf %mul3A_159, %div3A_178 : vector<512x1xf32>
    %sub3A_182 = arith.subf %mul3A_180, %mul3A_179 : vector<512x1xf32>
    %sub3A_183 = arith.subf %min3A_92, %broadcast_in_dim3A_171 : vector<512x1xf32>
    %div3A_184 = arith.divf %sub3A_183, %broadcast_in_dim3A_175 : vector<512x1xf32>
    %mul3A_185 = arith.mulf %broadcast_in_dim3A_175, %div3A_184 : vector<512x1xf32>
    %mul3A_186 = arith.constant 5.000000e-01 : f32
    %mul3A_187 = vector.broadcast %mul3A_186 : f32 to vector<512x1xf32>
    %mul3A_188 = arith.mulf %mul3A_187, %sub3A_182 : vector<512x1xf32>
    %mul3A_189 = arith.mulf %mul3A_188, %div3A_184 : vector<512x1xf32>
    %add3A_190 = arith.addf %mul3A_189, %mul3A_179 : vector<512x1xf32>
    %mul3A_191 = arith.mulf %mul3A_185, %add3A_190 : vector<512x1xf32>
    %add3A_192 = arith.addf %mul3A_191, %mul3A_181 : vector<512x1xf32>
    %jit3A_193 = arith.constant 0.000000e+00 : f32
    %jit3A_194 = arith.constant 1.000000e+00 : f32
    %max3A_195 = vector.broadcast %jit3A_193 : f32 to vector<512x1xf32>
    %max3A_196 = arith.maximumf %max3A_195, %add3A_192 : vector<512x1xf32>
    %min3A_197 = vector.broadcast %jit3A_194 : f32 to vector<512x1xf32>
    %min3A_198 = arith.minimumf %min3A_197, %max3A_196 : vector<512x1xf32>
    %mul3A_199 = arith.mulf %div3A_184, %sub3A_182 : vector<512x1xf32>
    %add3A_200 = arith.addf %mul3A_199, %mul3A_179 : vector<512x1xf32>
    %mul3A_201 = arith.mulf %mul3A_95, %add3A_200 : vector<512x1xf32>
    %get3A_202 = arith.constant 0 : index
    %get3A_203 = arith.constant 448 : index
    %get3A_204 = vector.load %arg3[%get3A_202, %get3A_203] : memref<512x512xf32, #tpu.memory_space<vmem>>, vector<512x32xf32>
    %get3A_205 = arith.constant 0 : index
    %get3A_206 = arith.constant 192 : index
    %get3A_207 = vector.load %arg3[%get3A_205, %get3A_206] : memref<512x512xf32, #tpu.memory_space<vmem>>, vector<512x32xf32>
    %get3A_208 = arith.constant 0 : index
    %get3A_209 = arith.constant 192 : index
    %get3A_210 = vector.load %arg2[%get3A_208, %get3A_209] : memref<512x224xf32, #tpu.memory_space<vmem>>, vector<512x32xf32>
    %add3A_211 = arith.addf %get3A_207, %get3A_210 : vector<512x32xf32>
    %exp3A_212 = math.exp %add3A_211 : vector<512x32xf32>
    %slice3A_213 = vector.extract_strided_slice %get3A_204 {offsets = [0, 1], sizes = [512, 31], strides = [1, 1]} : vector<512x32xf32> to vector<512x31xf32>
    %concatenate3A_214 = tpu.concatenate %slice3A_213, %broadcast_in_dim3A_6 in 1 : vector<512x31xf32>, vector<512x1xf32> -> vector<512x32xf32>
    %slice3A_215 = vector.extract_strided_slice %get3A_204 {offsets = [0, 0], sizes = [512, 31], strides = [1, 1]} : vector<512x32xf32> to vector<512x31xf32>
    %concatenate3A_216 = tpu.concatenate %broadcast_in_dim3A_4, %slice3A_215 in 1 : vector<512x1xf32>, vector<512x31xf32> -> vector<512x32xf32>
    %sub3A_217 = arith.subf %concatenate3A_214, %get3A_204 : vector<512x32xf32>
    %sub3A_218 = arith.subf %get3A_204, %concatenate3A_216 : vector<512x32xf32>
    %add3A_219 = arith.addf %sub3A_217, %sub3A_218 : vector<512x32xf32>
    %mul3A_220 = arith.mulf %exp3A_212, %add3A_219 : vector<512x32xf32>
    %mul3A_221 = arith.mulf %exp3A_212, %sub3A_218 : vector<512x32xf32>
    %reduce_sum3A_222 = arith.constant dense<0.000000e+00> : vector<512xf32>
    %reduce_sum3A_223 = vector.multi_reduction <add>, %mul3A_220, %reduce_sum3A_222 [1] : vector<512x32xf32> to vector<512xf32>
    %broadcast_in_dim3A_224 = vector.shape_cast %reduce_sum3A_223 : vector<512xf32> to vector<512x1xf32>
    %mul3A_225 = arith.constant 5.000000e-01 : f32
    %mul3A_226 = vector.broadcast %mul3A_225 : f32 to vector<512x1xf32>
    %mul3A_227 = arith.mulf %mul3A_226, %broadcast_in_dim3A_224 : vector<512x1xf32>
    %ge3A_228 = vector.broadcast %min3A_198 : vector<512x1xf32> to vector<512x32xf32>
    %ge3A_229 = arith.cmpf oge, %ge3A_228, %get3A_204 : vector<512x32xf32>
    %convert_element_type3A_230 = arith.extui %ge3A_229 : vector<512x32xi1> to vector<512x32xi32>
    %convert_element_type3A_231 = arith.sitofp %convert_element_type3A_230 : vector<512x32xi32> to vector<512x32xf32>
    %reduce_sum3A_232 = arith.constant dense<0.000000e+00> : vector<512xf32>
    %reduce_sum3A_233 = vector.multi_reduction <add>, %convert_element_type3A_231, %reduce_sum3A_232 [1] : vector<512x32xf32> to vector<512xf32>
    %broadcast_in_dim3A_234 = vector.shape_cast %reduce_sum3A_233 : vector<512xf32> to vector<512x1xf32>
    %convert_element_type3A_235 = arith.fptosi %broadcast_in_dim3A_234 : vector<512x1xf32> to vector<512x1xi32>
    %sub3A_236 = arith.constant 1 : i32
    %sub3A_237 = vector.broadcast %sub3A_236 : i32 to vector<512x1xi32>
    %sub3A_238 = arith.subi %convert_element_type3A_235, %sub3A_237 : vector<512x1xi32>
    %jit3A_239 = arith.constant 0 : i32
    %jit3A_240 = arith.constant 30 : i32
    %max3A_241 = vector.broadcast %jit3A_239 : i32 to vector<512x1xi32>
    %max3A_242 = arith.maxsi %max3A_241, %sub3A_238 : vector<512x1xi32>
    %min3A_243 = vector.broadcast %jit3A_240 : i32 to vector<512x1xi32>
    %min3A_244 = arith.minsi %min3A_243, %max3A_242 : vector<512x1xi32>
    %iota3A_245 = tpu.iota {dimensions = array<i32: 1>} : vector<512x32xi32>
    %eq3A_246 = vector.broadcast %min3A_244 : vector<512x1xi32> to vector<512x32xi32>
    %eq3A_247 = arith.cmpi eq, %iota3A_245, %eq3A_246 : vector<512x32xi32>
    %lt3A_248 = vector.broadcast %min3A_244 : vector<512x1xi32> to vector<512x32xi32>
    %lt3A_249 = arith.cmpi slt, %iota3A_245, %lt3A_248 : vector<512x32xi32>
    %add3A_250 = arith.constant 1 : i32
    %add3A_251 = vector.broadcast %add3A_250 : i32 to vector<512x1xi32>
    %add3A_252 = arith.addi %min3A_244, %add3A_251 : vector<512x1xi32>
    %eq3A_253 = vector.broadcast %add3A_252 : vector<512x1xi32> to vector<512x32xi32>
    %eq3A_254 = arith.cmpi eq, %iota3A_245, %eq3A_253 : vector<512x32xi32>
    %broadcast_in_dim3A_255 = arith.constant 0.000000e+00 : f32
    %broadcast_in_dim3A_256 = vector.broadcast %broadcast_in_dim3A_255 : f32 to vector<512x32xf32>
    %select_n3A_257 = arith.select %lt3A_249, %mul3A_220, %broadcast_in_dim3A_256 : vector<512x32xi1>, vector<512x32xf32>
    %select_n3A_258 = arith.select %eq3A_247, %mul3A_221, %broadcast_in_dim3A_256 : vector<512x32xi1>, vector<512x32xf32>
    %add3A_259 = arith.addf %select_n3A_257, %select_n3A_258 : vector<512x32xf32>
    %reduce_sum3A_260 = arith.constant dense<0.000000e+00> : vector<512xf32>
    %reduce_sum3A_261 = vector.multi_reduction <add>, %add3A_259, %reduce_sum3A_260 [1] : vector<512x32xf32> to vector<512xf32>
    %broadcast_in_dim3A_262 = vector.shape_cast %reduce_sum3A_261 : vector<512xf32> to vector<512x1xf32>
    %mul3A_263 = arith.constant 5.000000e-01 : f32
    %mul3A_264 = vector.broadcast %mul3A_263 : f32 to vector<512x1xf32>
    %mul3A_265 = arith.mulf %mul3A_264, %broadcast_in_dim3A_262 : vector<512x1xf32>
    %select_n3A_266 = arith.select %eq3A_247, %exp3A_212, %broadcast_in_dim3A_256 : vector<512x32xi1>, vector<512x32xf32>
    %reduce_sum3A_267 = arith.constant dense<0.000000e+00> : vector<512xf32>
    %reduce_sum3A_268 = vector.multi_reduction <add>, %select_n3A_266, %reduce_sum3A_267 [1] : vector<512x32xf32> to vector<512xf32>
    %broadcast_in_dim3A_269 = vector.shape_cast %reduce_sum3A_268 : vector<512xf32> to vector<512x1xf32>
    %select_n3A_270 = arith.select %eq3A_254, %exp3A_212, %broadcast_in_dim3A_256 : vector<512x32xi1>, vector<512x32xf32>
    %reduce_sum3A_271 = arith.constant dense<0.000000e+00> : vector<512xf32>
    %reduce_sum3A_272 = vector.multi_reduction <add>, %select_n3A_270, %reduce_sum3A_271 [1] : vector<512x32xf32> to vector<512xf32>
    %broadcast_in_dim3A_273 = vector.shape_cast %reduce_sum3A_272 : vector<512xf32> to vector<512x1xf32>
    %select_n3A_274 = arith.select %eq3A_247, %get3A_204, %broadcast_in_dim3A_256 : vector<512x32xi1>, vector<512x32xf32>
    %reduce_sum3A_275 = arith.constant dense<0.000000e+00> : vector<512xf32>
    %reduce_sum3A_276 = vector.multi_reduction <add>, %select_n3A_274, %reduce_sum3A_275 [1] : vector<512x32xf32> to vector<512xf32>
    %broadcast_in_dim3A_277 = vector.shape_cast %reduce_sum3A_276 : vector<512xf32> to vector<512x1xf32>
    %select_n3A_278 = arith.select %eq3A_247, %sub3A_217, %broadcast_in_dim3A_256 : vector<512x32xi1>, vector<512x32xf32>
    %reduce_sum3A_279 = arith.constant dense<0.000000e+00> : vector<512xf32>
    %reduce_sum3A_280 = vector.multi_reduction <add>, %select_n3A_278, %reduce_sum3A_279 [1] : vector<512x32xf32> to vector<512xf32>
    %broadcast_in_dim3A_281 = vector.shape_cast %reduce_sum3A_280 : vector<512xf32> to vector<512x1xf32>
    %div3A_282 = arith.constant 1.000000e+00 : f32
    %div3A_283 = vector.broadcast %div3A_282 : f32 to vector<512x1xf32>
    %div3A_284 = arith.divf %div3A_283, %mul3A_227 : vector<512x1xf32>
    %mul3A_285 = arith.mulf %broadcast_in_dim3A_269, %div3A_284 : vector<512x1xf32>
    %mul3A_286 = arith.mulf %broadcast_in_dim3A_273, %div3A_284 : vector<512x1xf32>
    %mul3A_287 = arith.mulf %mul3A_265, %div3A_284 : vector<512x1xf32>
    %sub3A_288 = arith.subf %mul3A_286, %mul3A_285 : vector<512x1xf32>
    %sub3A_289 = arith.subf %min3A_198, %broadcast_in_dim3A_277 : vector<512x1xf32>
    %div3A_290 = arith.divf %sub3A_289, %broadcast_in_dim3A_281 : vector<512x1xf32>
    %mul3A_291 = arith.mulf %broadcast_in_dim3A_281, %div3A_290 : vector<512x1xf32>
    %mul3A_292 = arith.constant 5.000000e-01 : f32
    %mul3A_293 = vector.broadcast %mul3A_292 : f32 to vector<512x1xf32>
    %mul3A_294 = arith.mulf %mul3A_293, %sub3A_288 : vector<512x1xf32>
    %mul3A_295 = arith.mulf %mul3A_294, %div3A_290 : vector<512x1xf32>
    %add3A_296 = arith.addf %mul3A_295, %mul3A_285 : vector<512x1xf32>
    %mul3A_297 = arith.mulf %mul3A_291, %add3A_296 : vector<512x1xf32>
    %add3A_298 = arith.addf %mul3A_297, %mul3A_287 : vector<512x1xf32>
    %jit3A_299 = arith.constant 0.000000e+00 : f32
    %jit3A_300 = arith.constant 1.000000e+00 : f32
    %max3A_301 = vector.broadcast %jit3A_299 : f32 to vector<512x1xf32>
    %max3A_302 = arith.maximumf %max3A_301, %add3A_298 : vector<512x1xf32>
    %min3A_303 = vector.broadcast %jit3A_300 : f32 to vector<512x1xf32>
    %min3A_304 = arith.minimumf %min3A_303, %max3A_302 : vector<512x1xf32>
    %mul3A_305 = arith.mulf %div3A_290, %sub3A_288 : vector<512x1xf32>
    %add3A_306 = arith.addf %mul3A_305, %mul3A_285 : vector<512x1xf32>
    %mul3A_307 = arith.mulf %mul3A_201, %add3A_306 : vector<512x1xf32>
    %swap3A = arith.constant 0 : index
    %swap3A_308 = arith.constant 0 : index
    %swap3A_309 = vector.load %arg4[%swap3A, %swap3A_308] : memref<512x1xf32, #tpu.memory_space<vmem>>, vector<512x1xf32>
    tpu.vector_store %arg4[%swap3A, %swap3A_308], %min3A_304 {strides = array<i32>} : memref<512x1xf32, #tpu.memory_space<vmem>>, vector<512x1xf32>,
    %log3A = math.log %mul3A_307 : vector<512x1xf32>
    %swap3A_310 = arith.constant 0 : index
    %swap3A_311 = arith.constant 0 : index
    %swap3A_312 = vector.load %arg5[%swap3A_310, %swap3A_311] : memref<512x1xf32, #tpu.memory_space<vmem>>, vector<512x1xf32>
    tpu.vector_store %arg5[%swap3A_310, %swap3A_311], %log3A {strides = array<i32>} : memref<512x1xf32, #tpu.memory_space<vmem>>, vector<512x1xf32>,
    return
  }
  func.func @transform_0(%arg0: i32) -> (i32, i32) {
    %add3A = arith.constant 0 : i32
    %add3A_0 = arith.addi %arg0, %add3A : i32
    %c0_i32 = arith.constant 0 : i32
    %c0_i32_1 = arith.constant 0 : i32
    return %add3A_0, %c0_i32 : i32, i32
  }
  func.func @transform_1(%arg0: i32) -> (i32, i32) {
    %add3A = arith.constant 0 : i32
    %add3A_0 = arith.addi %arg0, %add3A : i32
    %c0_i32 = arith.constant 0 : i32
    %c0_i32_1 = arith.constant 0 : i32
    return %add3A_0, %c0_i32 : i32, i32
  }
  func.func @transform_2(%arg0: i32) -> (i32, i32) {
    %c0_i32 = arith.constant 0 : i32
    %c0_i32_0 = arith.constant 0 : i32
    return %arg0, %c0_i32 : i32, i32
  }
  func.func @transform_3(%arg0: i32) -> (i32, i32) {
    %c0_i32 = arith.constant 0 : i32
    %c0_i32_0 = arith.constant 0 : i32
    return %arg0, %c0_i32 : i32, i32
  }
  func.func @transform_4(%arg0: i32) -> (i32, i32) {
    %c0_i32 = arith.constant 0 : i32
    %c0_i32_0 = arith.constant 0 : i32
    return %arg0, %c0_i32 : i32, i32
  }
}

</mosaic_0001>

<sc_bundles>
// kernel: kernel.5.cloned.1.call-start
scs
__scs_entry_jumppad:
0x0: {  	(pc) =	sbr.rel $0x88, $3  }
0x1: {  	(tag) =	ssettag $0x0;
	lr =	simm.s32 $0x1  }
0x2: {  	[smem:$0x3F9B] =	sst lr;
	_ =	strace $0xD0000000  }
0x3: {  	_ = 	snop  }
0x4: {  	_ = 	snop  }
0x5: {  	_ = 	snop  }
0x6: {  	_ = 	snop  }
0x7: {  	_ = 	snop  }
__scs_overlays_trampoline_lowered:
0x8: {  	[smem:$0x3FAA] =	sst s0  }
0x9: {  	[smem:$0x3FAB] =	sst s1  }
0xa: {  	[smem:$0x3FAC] =	sst s2  }
0xb: {  	[smem:$0x3FAD] =	sst s3  }
0xc: {  	[smem:$0x3FAE] =	sst s4  }
0xd: {  	[smem:$0x3FAF] =	sst s5  }
0xe: {  	[smem:$0x3FB0] =	sst s6  }
0xf: {  	[smem:$0x3FB1] =	sst s7  }
0x10: {  	[smem:$0x3FB2] =	sst s8  }
0x11: {  	[smem:$0x3FB3] =	sst s9;
	s0 =	simm.s32 @!p0 $0x0  }
0x12: {  	s1 =	sld [smem:$0x3F99];
	s0 =	simm.s32 @p0 $0x1  }
0x13: {  	[smem:$0x3FB4] =	sst s0;
	s0 =	simm.s32 @!p1 $0x0  }
0x14: {  	s2 =	sld [smem:$0x3F98];
	s0 =	simm.s32 @p1 $0x1  }
0x15: {  	[smem:$0x3FB5] =	sst s0;
	s0 =	simm.s32 @!p2 $0x0  }
0x16: {  	s3 =	sld [smem:$0x3FDB];
	s0 =	simm.s32 @p2 $0x1  }
0x17: {  	s4 =	simm.s32 $0x1BF5;
	[smem:$0x3FB7] =	sst s0  }
0x18: {  	s0 =	sld [smem:$0x3F9A];
	_ =	swait.ge [sflag:s4], $0x0  }
0x19: {  	s7 =	sld [smem:$0x3F9B]  }
0x1a: {  	s8 =	sadd.s32 $0xFFFFE003, lr  }
0x1b: {  	s9 =	sadd.s32 $0xFFFFFEF7, lr;
	s5 =	simm.s32 $0xFFFFFFFF;
	p2 =	slt.u32 s8, $0xFFFFF086  }
0x1c: {  	p1 =	slt.u32 s9, $0xF7A;
	s5 =	simm.s32 @!p2 $0x0  }
0x1d: {  	s5 =	simm.s32 @p1 $0x1;
	p0 =	seq.s32 s7, s2  }
0x1e: {  	s7 =	smul.u32 @!p0 $0xF7A, s2;
	p2 =	seq.s32 @!p0 s5, $0x0  }
0x1f: {  	s9 =	smul.u32 $0xF7A, s1;
	s8 =	simm.s32 @!p0 $0x1BF5;
	p2 =	por !p2, p0  }
0x20: {  	[sflag:s8] =	ssyncset.s32 @!p0 $0xFFFFF086;
	s6 =	sadd.s32 @!p0 s3, s7;
	s7 =	simm.s32 @!p0 $0x108  }
0x21: {  	s3 =	sadd.s32 s3, s9;
	s6 =	sadd.s32 @!p0 $0x88, s6;
	s7 =	simm.s32 @p2 $0x1082  }
0x22: {  	[simem:s7], [sflag:s8] =	dma.local @!p0 [hbm:s6], $0xF7A  }
0x23: {  	s9 =	sor.u32 $0xD0000000, s2;
	s6 =	simm.s32 $0x108;
	_ =	swait.ge @!p0 [sflag:s8], $0x0  }
0x24: {  	s3 =	sadd.s32 $0x88, s3;
	s6 =	simm.s32 @!p1 $0x1082;
	[sflag:s4] =	ssyncset.s32 $0xFFFFF086  }
0x25: {  	[simem:s6], [sflag:s4] =	dma.local [hbm:s3], $0xF7A  }
0x26: {  	[smem:$0x3F9B] =	sst s1;
	(tag) =	ssettag s2;
	_ =	strace s9  }
0x27: {  	s1 =	sld [smem:$0x3FAB]  }
0x28: {  	s2 =	sld [smem:$0x3FAC]  }
0x29: {  	s4 =	sld [smem:$0x3FAE]  }
0x2a: {  	p0 =	seq.s32 s5, $0x0;
	s5 =	sld [smem:$0x3FAF]  }
0x2b: {  	s6 =	sld [smem:$0x3FB0]  }
0x2c: {  	s7 =	sld [smem:$0x3FB1]  }
0x2d: {  	s3 =	simm.s32 $0x108;
	s8 =	sld [smem:$0x3FB2]  }
0x2e: {  	s3 =	simm.s32 @!p0 $0x1082;
	s9 =	sld [smem:$0x3FB3]  }
0x2f: {  	lr =	sadd.s32 s0, s3;
	s0 =	sld [smem:$0x3FAA]  }
0x30: {  	s3 =	sld [smem:$0x3FAD]  }
0x31: {  	[smem:$0x3FB6] =	sst s10  }
0x32: {  	s10 =	sld [smem:$0x3FB4];
	_ =	sdelay $0x3  }
0x33: {  	p0 =	seq.s32 s10, $0x1;
	s10 =	sld [smem:$0x3FB6];
	_ =	sdelay $0x3  }
0x34: {  	[smem:$0x3FB6] =	sst s10  }
0x35: {  	s10 =	sld [smem:$0x3FB5];
	_ =	sdelay $0x3  }
0x36: {  	p1 =	seq.s32 s10, $0x1;
	s10 =	sld [smem:$0x3FB6];
	_ =	sdelay $0x3  }
0x37: {  	[smem:$0x3FB6] =	sst s10  }
0x38: {  	s10 =	sld [smem:$0x3FB7]  }
0x39: {  	_ = 	snop;
	(pc) =	sbr.ind lr, $3  }
0x3a: {  	_ = 	snop  }
0x3b: {  	_ = 	snop  }
0x3c: {  	p2 =	seq.s32 s10, $0x1;
	s10 =	sld [smem:$0x3FB6]  }
0x3d: {  	_ =	shalt  }
0x3e: {  	_ =	shalt  }
0x3f: {  	_ =	shalt  }
0x40: {  	_ =	shalt  }
0x41: {  	_ =	shalt  }
0x42: {  	_ =	shalt  }
0x43: {  	_ =	shalt  }
0x44: {  	_ =	shalt  }
0x45: {  	_ =	shalt  }
0x46: {  	_ =	shalt  }
0x47: {  	_ =	shalt  }
0x48: {  	_ =	shalt  }
0x49: {  	_ =	shalt  }
0x4a: {  	_ =	shalt  }
0x4b: {  	_ =	shalt  }
0x4c: {  	_ =	shalt  }
0x4d: {  	_ =	shalt  }
0x4e: {  	_ =	shalt  }
0x4f: {  	_ =	shalt  }
0x50: {  	_ =	shalt  }
0x51: {  	_ =	shalt  }
0x52: {  	_ =	shalt  }
0x53: {  	_ =	shalt  }
0x54: {  	_ =	shalt  }
0x55: {  	_ =	shalt  }
0x56: {  	_ =	shalt  }
0x57: {  	_ =	shalt  }
0x58: {  	_ =	shalt  }
0x59: {  	_ =	shalt  }
0x5a: {  	_ =	shalt  }
0x5b: {  	_ =	shalt  }
0x5c: {  	_ =	shalt  }
0x5d: {  	_ =	shalt  }
0x5e: {  	_ =	shalt  }
0x5f: {  	_ =	shalt  }
0x60: {  	_ =	shalt  }
0x61: {  	_ =	shalt  }
0x62: {  	_ =	shalt  }
0x63: {  	_ =	shalt  }
0x64: {  	_ =	shalt  }
0x65: {  	_ =	shalt  }
0x66: {  	_ =	shalt  }
0x67: {  	_ =	shalt  }
0x68: {  	_ =	shalt  }
0x69: {  	_ =	shalt  }
0x6a: {  	_ =	shalt  }
0x6b: {  	_ =	shalt  }
0x6c: {  	_ =	shalt  }
0x6d: {  	_ =	shalt  }
0x6e: {  	_ =	shalt  }
0x6f: {  	_ =	shalt  }
0x70: {  	_ =	shalt  }
0x71: {  	_ =	shalt  }
0x72: {  	_ =	shalt  }
0x73: {  	_ =	shalt  }
0x74: {  	_ =	shalt  }
0x75: {  	_ =	shalt  }
0x76: {  	_ =	shalt  }
0x77: {  	_ =	shalt  }
0x78: {  	_ =	shalt  }
0x79: {  	_ =	shalt  }
0x7a: {  	_ =	shalt  }
0x7b: {  	_ =	shalt  }
0x7c: {  	_ =	shalt  }
0x7d: {  	_ =	shalt  }
0x7e: {  	_ =	shalt  }
0x7f: {  	_ =	shalt  }
0x80: {  	_ =	shalt  }
0x81: {  	_ =	shalt  }
0x82: {  	_ =	shalt  }
0x83: {  	_ =	shalt  }
0x84: {  	_ =	shalt  }
0x85: {  	_ =	shalt  }
0x86: {  	_ =	shalt  }
0x87: {  	_ =	shalt  }
.Lfunc_end0:
.L_simem_size_0:
called_computation_lowered:
.L_overlay_start_0:
0x88: {  	s2 =	sld [smem:$0x3FD9]  }
0x89: {  	s3 =	sld [smem:$0x3FFE];
	_ =	sdelay $0x1  }
0x8a: {  	s1 =	srdreg.scid  }
0x8b: {  	s0 =	sand.u32 $0x1, s1  }
0x8c: {  	s17 =	sshll.u32 s0, $0xA;
	s2 =	sadd.s32 s3, s2  }
0x8d: {  	s2 =	sadd.s32 s2, s17  }
0x8e: {  	[smem:$0x3FC2] =	sst s2  }
0x8f: {  	_ = 	snop  }
0x90: {  	s2 =	sld [smem:$0x3FC7];
	(tm) =	ssettm $0x1  }
0x91: {  	s18 =	sld [smem:$0x3FFB];
	_ =	sdelay $0x3  }
0x92: {  	_ =	strace s18  }
0x93: {  	s3 =	sld [smem:$0x3FFC];
	_ =	sdelay $0x3  }
0x94: {  	_ =	strace s3  }
0x95: {  	s3 =	sld [smem:$0x3FFD];
	_ =	sdelay $0x3  }
0x96: {  	_ =	strace s3  }
0x97: {  	_ =	strace $0x8FFFFFFF  }
0x98: {  	s19 =	sld [smem:$0x3FDB];
	_ =	sdelay $0x1  }
0x99: {  	s4 =	simm.s32 $_scs_section_size  }
0x9a: {  	s5 =	simm.s32 $_size__tile_overlayer_lowered;
	s6 =	simm.s32 $_tile_overlayer_lowered  }
0x9b: {  	s22 =	simm.s32 $0x1BFF;
	s21 =	sshll.u32 s6, $0x1;
	s3 =	sadd.s32 s4, s19  }
0x9c: {  	s7 =	simm.s32 $0x0;
	s20 =	sshll.u32 s5, $0x1;
	s5 =	sadd.s32 s21, s3  }
0x9d: {  	[timem:s7], [sflag:s22] =	dma.local [hbm:s5], s20  }
0x9e: {  	_ =	swait.ge [sflag:s22], s20  }
0x9f: {  	s4 =	ssub.s32 $0x0, s20;
	[sflag:s22] =	ssyncset.done $0x0  }
0xa0: {  	[sflag:s22] =	ssyncadd.s32 s4;
	_ =	sdelay $0x1  }
0xa1: {  	s23 =	simm.s32 $0x1B8B  }
0xa2: {  	_ =	swait.ge [sflag:s23], $0x1  }
0xa3: {  	[sflag:s23] =	ssyncset.done $0x0  }
0xa4: {  	s25 =	simm.s32 $0x1B8E;
	s24 =	sld [smem:$0x3FFE];
	[sflag:s23] =	ssyncadd.s32 $0xFFFFFFFF  }
0xa5: {  	s26 =	simm.s32 $execute0_lowered;
	[smem:$0x3FD2] =	sst s25  }
0xa6: {  	s5 =	sshll.u32 s26, $0x1;
	_ =	strace $0x80000046;
	[dreg:$0x1] =	wrdreg $0xFFFFFFFF  }
0xa7: {  	s28 =	simm.s32 $_size_execute0_lowered;
	s3 =	sadd.s32 s3, s5;
	[dreg:$0x0] =	wrdreg $0x0  }
0xa8: {  	s5 =	sshll.u32 s28, $0x1;
	[dreg:$0x2] =	wrdreg s3  }
0xa9: {  	[dreg:$0x3] =	wrdreg s5  }
0xaa: {  	[dreg:$0x4] =	wrdreg $0xC0  }
0xab: {  	_ =	task [dreg:s7], $0x5FFFF  }
0xac: {  	[dreg:$0x1] =	wrdreg $0xFFFFFFFF  }
0xad: {  	[dreg:$0x0] =	wrdreg $0x60  }
0xae: {  	[dreg:$0x2] =	wrdreg s2  }
0xaf: {  	[dreg:$0x3] =	wrdreg s24  }
0xb0: {  	[dreg:$0x4] =	wrdreg $0x9  }
0xb1: {  	_ =	task.clear_ibuf [dreg:s7], $0x5FFFF;
	_ =	strace $0x90000046  }
0xb2: {  	s29 =	simm.s32 $0x9;
	_ =	strace $0x80000048  }
0xb3: {  	_ =	swait.ge [sflag:s29], $0x1  }
0xb4: {  	[sflag:s29] =	ssyncadd.s32 $0xFFFFFFFF  }
0xb5: {  	_ =	strace $0x90000048  }
0xb6: {  	_ =	sfence  }
0xb7: {  	s30 =	sld [smem:$0x0];
	_ =	sdelay $0x2  }
0xb8: {  	s31 =	sshll.u32 s1, $0xD;
	s1 =	sshrl.u32 s1, $0x2  }
0xb9: {  	s3 =	sand.u32 $0x4000, s31;
	s1 =	sadd.s32 s1, s30  }
0xba: {  	s0 =	sor.u32 s3, s0;
	s1 =	sshll.u32 s1, $0x11  }
0xbb: {  	s0 =	sor.u32 s1, s0  }
0xbc: {  	s0 =	sadd.s32 $0x8F2B, s0  }
0xbd: {  	[sflag:s0] =	ssyncadd.remote.s32 $0x1  }
0xbe: {  	_ =	sfence.sel $0xFFFF  }
0xbf: {  	[dreg:$0x0] =	wrdreg $0xFFFFFFFF;
	(pc) =	sbr.abs _section_cstart, $3  }
0xc0: {  	[dreg:$0x1] =	wrdreg $0xFFFFFFFF  }
0xc1: {  	_ =	task.clear_ibuf [dreg:s7], $0x2FFFF;
	_ =	strace $0x9FFFFFFF  }
0xc2: {  	(tm) =	ssettm $0x7FFFFFFF  }
0xc3: {  	_ =	shalt  }
tec
execute0_lowered:
.L_overlay_start_1:
0x0: {  	(tag) =	ssettag $0x1  }
0x1: {  	s0 =	rddreg [dreg:$0x0]  }
0x2: {  	s1 =	rddreg [dreg:$0x1];
	s2 =	simm.s32 $0x0  }
0x3: {  	s3 =	srdreg.scid;
	s7 =	stileid.u32;
	s9 =	simm.s32 $0x1000  }
0x4: {  	s22 =	simm.s32 $0x7800;
	s28 =	simm.s32 $0x9800;
	s29 =	simm.s32 $0xA000  }
0x5: {  	s30 =	simm.s32 $0xA800;
	s31 =	simm.s32 $0xB000;
	s10 =	simm.s32 $0xE000  }
0x6: {  	s11 =	simm.s32 $0xE800;
	s12 =	simm.s32 $0xF000;
	s13 =	simm.s32 $0xF800  }
0x7: {  	s14 =	simm.s32 $0x10000;
	s15 =	simm.s32 $0x10800;
	s16 =	simm.s32 $0x2  }
0x8: {  	s17 =	simm.s32 $0x3;
	s20 =	simm.s32 $0x0;
	[smem:$0x7FF] =	sst s2  }
0x9: {  	s4 =	sand.u32 $0x1, s3;
	s3 =	sadd.s32 $0x200, s1;
	s5 =	sshll.u32 s7, $0xD  }
0xa: {  	s7 =	sshll.u32 s7, $0x13;
	_ =	strace $0x80000047;
	s6 =	sshll.u32 s4, $0xC  }
0xb: {  	s8 =	ssub.s32 $0x2, s4;
	s23 =	sadd.s32 s7, s1;
	s25 =	sshll.u32 s4, $0x12  }
0xc: {  	s4 =	simm.s32 $0xC800;
	s5 =	sor.u32 s6, s5;
	s24 =	sshrl.u32 s8, $0x1  }
0xd: {  	s6 =	simm.s32 $0xD000;
	s5 =	sshrl.u32 s5, $0x3;
	s7 =	ssub.s32 s8, s24  }
.Ltmp0:
0xe: {  	s24 =	simm.s32 $0x8800;
	s0 =	sadd.s32 s0, s5;
	(pc) =	sbr.rel .LBB2_1-.Ltmp0, $4  }
0xf: {  	s8 =	simm.s32 $0xD800;
	s26 =	smax.u32 s7, $0x1;
	[dreg:$0x3] =	wrdreg s0  }
0x10: {  	v2 =	vlaneseq.u32;
	s5 =	sadd.s32 $0x300, s1;
	s1 =	simm.s32 $0xC000;
	[dreg:$0x4] =	wrdreg s26  }
0x11: {  	vm0 =	vmmov $0xffff;
	v1 =	vshrl.u32 v2, $0x3;
	s0 =	sadd.s32 s25, s23;
	s23 =	simm.s32 $0x8000;
	s25 =	simm.s32 $0x1  }
0x12: {  	v0 =	vand.u32 $0x7, v2;
	v2 =	vor.u32 $0x8, v2;
	v1 =	vmul.u32 $0x8, v1;
	s26 =	simm.s32 $0x9000;
	s7 =	sadd.s32 $0x40200, s0;
	s0 =	simm.s32 $0xB800  }
.LBB2_5:
0x13: {  	_ =	swait.ge [sflag:s17], $0x8000  }
0x14: {  	[sflag:s17] =	ssyncset.done $0x0  }
0x15: {  	s19 =	simm.s32 $0x4;
	[sflag:s17] =	ssyncadd.s32 $0xFFFF8000  }
0x16: {  	_ =	swait.ge [sflag:s19], $0x8000  }
0x17: {  	s20 =	rddreg [dreg:$0x5]  }
0x18: {  	s18 =	rddreg [dreg:$0x4];
	s20 =	sadd.s32 $0x1, s20  }
0x19: {  	p0 =	sne.s32 s20, s18  }
.Ltmp1:
0x1a: {  	_ = 	snop;
	(pc) =	sbr.rel @!p0 .LBB2_6-.Ltmp1, $3  }
0x1b: {  	_ =	sdelay $0x1  }
0x1c: {  	[sflag:s19] =	ssyncset.done $0x0  }
0x1d: {  	[sflag:s19] =	ssyncadd.s32 $0xFFFF8000  }
.LBB2_1:
0x1e: {  	[dreg:$0x5] =	wrdreg s20  }
0x1f: {  	s18 =	rddreg [dreg:$0x3];
	s21 =	simm.s32 $0x5  }
0x20: {  	[tilespmem:s2], [sflag:$0x5] =	stream.linear.gather [hbm4b:s18+s2], $0x1000, $0x38;
	[tilespmem:$0x11000] =	vst v63  }
0x21: {  	_ =	swait.ge [sflag:s21], $0x1000  }
0x22: {  	[sflag:s21] =	ssyncset.done $0x0  }
0x23: {  	[sflag:s21] =	ssyncadd.s32 $0xFFFFF000  }
0x24: {  	v3 =	vld [tilespmem:$0x0];
	_ =	sdelay $0x4  }
0x25: {  	v4 =	vshll.u32 v3, $0x2  }
0x26: {  	v3 =	vand.u32 $0x7, v3;
	v4 =	vand.u32 $0xFFFFFFE0, v4  }
0x27: {  	v3 =	vor.u32 v3, v4  }
0x28: {  	v4 =	vperm.xlane v3, v0;
	_ =	sdelay $0x1  }
0x29: {  	v4 =	vadd.s32 v1, v4;
	_ =	sdelay $0x1  }
0x2a: {  	v3 =	vperm.xlane v3, v2;
	_ =	sdelay $0x1  }
0x2b: {  	v3 =	vadd.s32 v1, v3  }
0x2c: {  	[tilespmem:s9], [sflag:$0x1] =	stream.indirect_vreg.gather [hbm4b:s3+s2], $0x80, v4, vm0, $0xb8;
	[tilespmem:$0x11000] =	vst v63  }
0x2d: {  	s19 =	simm.s32 $0x1800  }
0x2e: {  	[tilespmem:s19], [sflag:$0x1] =	stream.indirect_vreg.gather [hbm4b:s5+s2], $0x80, v4, vm0, $0xb8;
	[tilespmem:$0x11000] =	vst v63  }
0x2f: {  	s20 =	simm.s32 $0x2000  }
0x30: {  	[tilespmem:s20], [sflag:$0x1] =	stream.indirect_vreg.gather [hbm4b:s3+s2], $0x80, v3, vm0, $0xb8;
	[tilespmem:$0x11000] =	vst v63  }
0x31: {  	s21 =	simm.s32 $0x2800  }
0x32: {  	[tilespmem:s21], [sflag:$0x1] =	stream.indirect_vreg.gather [hbm4b:s5+s2], $0x80, v3, vm0, $0xb8;
	[tilespmem:$0x11000] =	vst v63  }
0x33: {  	v3 =	vld [tilespmem:$0x10];
	_ =	sdelay $0x4  }
0x34: {  	v61 =	vshll.u32 v3, $0x2  }
0x35: {  	v3 =	vand.u32 $0x7, v3;
	v4 =	vand.u32 $0xFFFFFFE0, v61  }
0x36: {  	v3 =	vor.u32 v3, v4  }
0x37: {  	v4 =	vperm.xlane v3, v0;
	_ =	sdelay $0x1  }
0x38: {  	v4 =	vadd.s32 v1, v4;
	_ =	sdelay $0x1  }
0x39: {  	v3 =	vperm.xlane v3, v2;
	_ =	sdelay $0x1  }
0x3a: {  	s19 =	simm.s32 $0x3000;
	v3 =	vadd.s32 v1, v3  }
0x3b: {  	[tilespmem:s19], [sflag:$0x1] =	stream.indirect_vreg.gather [hbm4b:s3+s2], $0x80, v4, vm0, $0xb8;
	[tilespmem:$0x11000] =	vst v63  }
0x3c: {  	s20 =	simm.s32 $0x3800  }
0x3d: {  	[tilespmem:s20], [sflag:$0x1] =	stream.indirect_vreg.gather [hbm4b:s5+s2], $0x80, v4, vm0, $0xb8;
	[tilespmem:$0x11000] =	vst v63  }
0x3e: {  	s21 =	simm.s32 $0x4000  }
0x3f: {  	[tilespmem:s21], [sflag:$0x1] =	stream.indirect_vreg.gather [hbm4b:s3+s2], $0x80, v3, vm0, $0xb8;
	[tilespmem:$0x11000] =	vst v63  }
0x40: {  	s19 =	simm.s32 $0x4800  }
0x41: {  	[tilespmem:s19], [sflag:$0x1] =	stream.indirect_vreg.gather [hbm4b:s5+s2], $0x80, v3, vm0, $0xb8;
	[tilespmem:$0x11000] =	vst v63  }
0x42: {  	v3 =	vld [tilespmem:$0x20];
	_ =	sdelay $0x4  }
0x43: {  	v62 =	vshll.u32 v3, $0x2  }
0x44: {  	v3 =	vand.u32 $0x7, v3;
	v4 =	vand.u32 $0xFFFFFFE0, v62  }
0x45: {  	v3 =	vor.u32 v3, v4  }
0x46: {  	v4 =	vperm.xlane v3, v0;
	_ =	sdelay $0x1  }
0x47: {  	v4 =	vadd.s32 v1, v4;
	_ =	sdelay $0x1  }
0x48: {  	v3 =	vperm.xlane v3, v2;
	_ =	sdelay $0x1  }
0x49: {  	s20 =	simm.s32 $0x5000;
	v3 =	vadd.s32 v1, v3  }
0x4a: {  	[tilespmem:s20], [sflag:$0x1] =	stream.indirect_vreg.gather [hbm4b:s3+s2], $0x80, v4, vm0, $0xb8;
	[tilespmem:$0x11000] =	vst v63  }
0x4b: {  	s21 =	simm.s32 $0x5800  }
0x4c: {  	[tilespmem:s21], [sflag:$0x1] =	stream.indirect_vreg.gather [hbm4b:s5+s2], $0x80, v4, vm0, $0xb8;
	[tilespmem:$0x11000] =	vst v63  }
0x4d: {  	s19 =	simm.s32 $0x6000  }
0x4e: {  	[tilespmem:s19], [sflag:$0x1] =	stream.indirect_vreg.gather [hbm4b:s3+s2], $0x80, v3, vm0, $0xb8;
	[tilespmem:$0x11000] =	vst v63  }
0x4f: {  	s20 =	simm.s32 $0x6800  }
0x50: {  	[tilespmem:s20], [sflag:$0x1] =	stream.indirect_vreg.gather [hbm4b:s5+s2], $0x80, v3, vm0, $0xb8;
	[tilespmem:$0x11000] =	vst v63  }
0x51: {  	v3 =	vld [tilespmem:$0x30];
	_ =	sdelay $0x4  }
0x52: {  	v63 =	vshll.u32 v3, $0x2  }
0x53: {  	v3 =	vand.u32 $0x7, v3;
	v4 =	vand.u32 $0xFFFFFFE0, v63  }
0x54: {  	v3 =	vor.u32 v3, v4  }
0x55: {  	v4 =	vperm.xlane v3, v0;
	_ =	sdelay $0x1  }
0x56: {  	v4 =	vadd.s32 v1, v4;
	_ =	sdelay $0x2  }
0x57: {  	v3 =	vperm.xlane v3, v2  }
0x58: {  	s21 =	simm.s32 $0x7000  }
0x59: {  	v3 =	vadd.s32 v1, v3;
	[tilespmem:s21], [sflag:$0x1] =	stream.indirect_vreg.gather [hbm4b:s3+s2], $0x80, v4, vm0, $0xb8;
	[tilespmem:$0x11000] =	vst v63  }
0x5a: {  	_ = 	snop  }
0x5b: {  	[tilespmem:s22], [sflag:$0x1] =	stream.indirect_vreg.gather [hbm4b:s5+s2], $0x80, v4, vm0, $0xb8;
	[tilespmem:$0x11000] =	vst v63  }
.Ltmp2:
0x5c: {  	_ = 	snop;
	(pc) =	sbr.rel .LBB2_2-.Ltmp2, $4  }
0x5d: {  	_ = 	snop  }
0x5e: {  	[tilespmem:s23], [sflag:$0x1] =	stream.indirect_vreg.gather [hbm4b:s3+s2], $0x80, v3, vm0, $0xb8;
	[tilespmem:$0x11000] =	vst v63  }
0x5f: {  	s18 =	simm.s32 $0x60;
	s19 =	simm.s32 $0x0  }
0x60: {  	[tilespmem:s24], [sflag:$0x1] =	stream.indirect_vreg.gather [hbm4b:s5+s2], $0x80, v3, vm0, $0xb8;
	[tilespmem:$0x11000] =	vst v63  }
.LBB2_4:
0x61: {  	s19 =	sadd.s32 $0x2000, s19  }
0x62: {  	p0 =	sne.s32 s19, $0x40000  }
.Ltmp3:
0x63: {  	_ = 	snop;
	(pc) =	sbr.rel @!p0 .LBB2_5-.Ltmp3, $4  }
0x64: {  	_ =	swait.ge [sflag:s16], $0x8000  }
0x65: {  	[sflag:s16] =	ssyncset.done $0x0  }
0x66: {  	s20 =	sadd.s32 $0x1000, s20;
	s18 =	sadd.s32 $0x80, s18;
	[sflag:s16] =	ssyncadd.s32 $0xFFFF8000  }
0x67: {  	[hbm4b:s20+s2] =	stream.linear.scatter [tilespmem:s26], [sflag:$0x4], $0x8000, $0x38;
	[tilespmem:$0x11000] =	vst v63  }
.LBB2_2:
0x68: {  	_ =	swait.ge [sflag:s25], $0x8000  }
0x69: {  	p0 =	seq.s32 s19, $0x0;
	[sflag:s25] =	ssyncset.done $0x0  }
0x6a: {  	s20 =	sadd.s32 s19, s7;
	s21 =	simm.s32 @!p0 $0x4;
	[sflag:s25] =	ssyncadd.s32 $0xFFFF8000  }
0x6b: {  	[hbm4b:s20+s2] =	stream.linear.scatter [tilespmem:s9], [sflag:$0x3], $0x8000, $0x38;
	[tilespmem:$0x11000] =	vst v63  }
0x6c: {  	_ =	swait.ge @!p0 [sflag:s21], $0x8000  }
0x6d: {  	[sflag:s21] =	ssyncset.done @!p0 $0x0  }
0x6e: {  	[sflag:s21] =	ssyncadd.s32 @!p0 $0xFFFF8000  }
0x6f: {  	v3 =	vld [tilespmem:s18+$0xFFFFFFE0];
	_ =	sdelay $0x4  }
0x70: {  	v4 =	vshll.u32 v3, $0x2  }
0x71: {  	v3 =	vand.u32 $0x7, v3;
	v4 =	vand.u32 $0xFFFFFFE0, v4  }
0x72: {  	v3 =	vor.u32 v3, v4  }
0x73: {  	v4 =	vperm.xlane v3, v0;
	_ =	sdelay $0x1  }
0x74: {  	v4 =	vadd.s32 v1, v4;
	_ =	sdelay $0x1  }
0x75: {  	v3 =	vperm.xlane v3, v2;
	_ =	sdelay $0x1  }
0x76: {  	v3 =	vadd.s32 v1, v3  }
0x77: {  	[tilespmem:s26], [sflag:$0x2] =	stream.indirect_vreg.gather [hbm4b:s3+s2], $0x80, v4, vm0, $0xb8;
	[tilespmem:$0x11000] =	vst v63  }
0x78: {  	_ = 	snop  }
0x79: {  	[tilespmem:s28], [sflag:$0x2] =	stream.indirect_vreg.gather [hbm4b:s5+s2], $0x80, v4, vm0, $0xb8;
	[tilespmem:$0x11000] =	vst v63  }
0x7a: {  	_ = 	snop  }
0x7b: {  	[tilespmem:s29], [sflag:$0x2] =	stream.indirect_vreg.gather [hbm4b:s3+s2], $0x80, v3, vm0, $0xb8;
	[tilespmem:$0x11000] =	vst v63  }
0x7c: {  	_ = 	snop  }
0x7d: {  	[tilespmem:s30], [sflag:$0x2] =	stream.indirect_vreg.gather [hbm4b:s5+s2], $0x80, v3, vm0, $0xb8;
	[tilespmem:$0x11000] =	vst v63  }
0x7e: {  	v3 =	vld [tilespmem:s18+$0xFFFFFFF0];
	_ =	sdelay $0x4  }
0x7f: {  	v61 =	vshll.u32 v3, $0x2  }
0x80: {  	v3 =	vand.u32 $0x7, v3;
	v4 =	vand.u32 $0xFFFFFFE0, v61  }
0x81: {  	v3 =	vor.u32 v3, v4  }
0x82: {  	v4 =	vperm.xlane v3, v0;
	_ =	sdelay $0x1  }
0x83: {  	v4 =	vadd.s32 v1, v4;
	_ =	sdelay $0x1  }
0x84: {  	v3 =	vperm.xlane v3, v2;
	_ =	sdelay $0x1  }
0x85: {  	v3 =	vadd.s32 v1, v3  }
0x86: {  	[tilespmem:s31], [sflag:$0x2] =	stream.indirect_vreg.gather [hbm4b:s3+s2], $0x80, v4, vm0, $0xb8;
	[tilespmem:$0x11000] =	vst v63  }
0x87: {  	_ = 	snop  }
0x88: {  	[tilespmem:s0], [sflag:$0x2] =	stream.indirect_vreg.gather [hbm4b:s5+s2], $0x80, v4, vm0, $0xb8;
	[tilespmem:$0x11000] =	vst v63  }
0x89: {  	_ = 	snop  }
0x8a: {  	[tilespmem:s1], [sflag:$0x2] =	stream.indirect_vreg.gather [hbm4b:s3+s2], $0x80, v3, vm0, $0xb8;
	[tilespmem:$0x11000] =	vst v63  }
0x8b: {  	_ = 	snop  }
0x8c: {  	[tilespmem:s4], [sflag:$0x2] =	stream.indirect_vreg.gather [hbm4b:s5+s2], $0x80, v3, vm0, $0xb8;
	[tilespmem:$0x11000] =	vst v63  }
0x8d: {  	v3 =	vld [tilespmem:s18+$0x0];
	_ =	sdelay $0x4  }
0x8e: {  	v62 =	vshll.u32 v3, $0x2  }
0x8f: {  	v3 =	vand.u32 $0x7, v3;
	v4 =	vand.u32 $0xFFFFFFE0, v62  }
0x90: {  	v3 =	vor.u32 v3, v4  }
0x91: {  	v4 =	vperm.xlane v3, v0;
	_ =	sdelay $0x1  }
0x92: {  	v4 =	vadd.s32 v1, v4;
	_ =	sdelay $0x1  }
0x93: {  	v3 =	vperm.xlane v3, v2;
	_ =	sdelay $0x1  }
0x94: {  	v3 =	vadd.s32 v1, v3  }
0x95: {  	[tilespmem:s6], [sflag:$0x2] =	stream.indirect_vreg.gather [hbm4b:s3+s2], $0x80, v4, vm0, $0xb8;
	[tilespmem:$0x11000] =	vst v63  }
0x96: {  	_ = 	snop  }
0x97: {  	[tilespmem:s8], [sflag:$0x2] =	stream.indirect_vreg.gather [hbm4b:s5+s2], $0x80, v4, vm0, $0xb8;
	[tilespmem:$0x11000] =	vst v63  }
0x98: {  	_ = 	snop  }
0x99: {  	[tilespmem:s10], [sflag:$0x2] =	stream.indirect_vreg.gather [hbm4b:s3+s2], $0x80, v3, vm0, $0xb8;
	[tilespmem:$0x11000] =	vst v63  }
0x9a: {  	_ = 	snop  }
0x9b: {  	[tilespmem:s11], [sflag:$0x2] =	stream.indirect_vreg.gather [hbm4b:s5+s2], $0x80, v3, vm0, $0xb8;
	[tilespmem:$0x11000] =	vst v63  }
0x9c: {  	v3 =	vld [tilespmem:s18+$0x10];
	_ =	sdelay $0x4  }
0x9d: {  	v63 =	vshll.u32 v3, $0x2  }
0x9e: {  	v3 =	vand.u32 $0x7, v3;
	v4 =	vand.u32 $0xFFFFFFE0, v63  }
0x9f: {  	v3 =	vor.u32 v3, v4  }
0xa0: {  	v4 =	vperm.xlane v3, v0;
	_ =	sdelay $0x1  }
0xa1: {  	v4 =	vadd.s32 v1, v4;
	_ =	sdelay $0x2  }
0xa2: {  	v3 =	vperm.xlane v3, v2;
	_ =	sdelay $0x1  }
0xa3: {  	v3 =	vadd.s32 v1, v3;
	[tilespmem:s12], [sflag:$0x2] =	stream.indirect_vreg.gather [hbm4b:s3+s2], $0x80, v4, vm0, $0xb8;
	[tilespmem:$0x11000] =	vst v63  }
0xa4: {  	p0 =	seq.s32 s19, $0x3E000  }
0xa5: {  	[tilespmem:s13], [sflag:$0x2] =	stream.indirect_vreg.gather [hbm4b:s5+s2], $0x80, v4, vm0, $0xb8;
	[tilespmem:$0x11000] =	vst v63  }
.Ltmp4:
0xa6: {  	_ = 	snop;
	(pc) =	sbr.rel @p0 .LBB2_4-.Ltmp4, $4  }
0xa7: {  	_ = 	snop  }
0xa8: {  	[tilespmem:s14], [sflag:$0x2] =	stream.indirect_vreg.gather [hbm4b:s3+s2], $0x80, v3, vm0, $0xb8;
	[tilespmem:$0x11000] =	vst v63  }
0xa9: {  	_ = 	snop  }
0xaa: {  	[tilespmem:s15], [sflag:$0x2] =	stream.indirect_vreg.gather [hbm4b:s5+s2], $0x80, v3, vm0, $0xb8;
	[tilespmem:$0x11000] =	vst v63  }
0xab: {  	_ =	swait.ge [sflag:s17], $0x8000  }
0xac: {  	[sflag:s17] =	ssyncset.done $0x0  }
0xad: {  	[sflag:s17] =	ssyncadd.s32 $0xFFFF8000  }
0xae: {  	v3 =	vld [tilespmem:s18+$0x20];
	_ =	sdelay $0x4  }
0xaf: {  	v4 =	vshll.u32 v3, $0x2  }
0xb0: {  	v3 =	vand.u32 $0x7, v3;
	v4 =	vand.u32 $0xFFFFFFE0, v4  }
0xb1: {  	v3 =	vor.u32 v3, v4  }
0xb2: {  	v4 =	vperm.xlane v3, v0;
	_ =	sdelay $0x1  }
0xb3: {  	v4 =	vadd.s32 v1, v4;
	_ =	sdelay $0x1  }
0xb4: {  	v3 =	vperm.xlane v3, v2;
	_ =	sdelay $0x1  }
0xb5: {  	v3 =	vadd.s32 v1, v3  }
0xb6: {  	[tilespmem:s9], [sflag:$0x1] =	stream.indirect_vreg.gather [hbm4b:s3+s2], $0x80, v4, vm0, $0xb8;
	[tilespmem:$0x11000] =	vst v63  }
0xb7: {  	s21 =	simm.s32 $0x1800  }
0xb8: {  	[tilespmem:s21], [sflag:$0x1] =	stream.indirect_vreg.gather [hbm4b:s5+s2], $0x80, v4, vm0, $0xb8;
	[tilespmem:$0x11000] =	vst v63  }
0xb9: {  	s21 =	simm.s32 $0x2000  }
0xba: {  	[tilespmem:s21], [sflag:$0x1] =	stream.indirect_vreg.gather [hbm4b:s3+s2], $0x80, v3, vm0, $0xb8;
	[tilespmem:$0x11000] =	vst v63  }
0xbb: {  	s21 =	simm.s32 $0x2800  }
0xbc: {  	[tilespmem:s21], [sflag:$0x1] =	stream.indirect_vreg.gather [hbm4b:s5+s2], $0x80, v3, vm0, $0xb8;
	[tilespmem:$0x11000] =	vst v63  }
0xbd: {  	v3 =	vld [tilespmem:s18+$0x30];
	_ =	sdelay $0x4  }
0xbe: {  	v61 =	vshll.u32 v3, $0x2  }
0xbf: {  	v3 =	vand.u32 $0x7, v3;
	v4 =	vand.u32 $0xFFFFFFE0, v61  }
0xc0: {  	v3 =	vor.u32 v3, v4  }
0xc1: {  	v4 =	vperm.xlane v3, v0;
	_ =	sdelay $0x1  }
0xc2: {  	v4 =	vadd.s32 v1, v4;
	_ =	sdelay $0x1  }
0xc3: {  	v3 =	vperm.xlane v3, v2;
	_ =	sdelay $0x1  }
0xc4: {  	s21 =	simm.s32 $0x3000;
	v3 =	vadd.s32 v1, v3  }
0xc5: {  	[tilespmem:s21], [sflag:$0x1] =	stream.indirect_vreg.gather [hbm4b:s3+s2], $0x80, v4, vm0, $0xb8;
	[tilespmem:$0x11000] =	vst v63  }
0xc6: {  	s21 =	simm.s32 $0x3800  }
0xc7: {  	[tilespmem:s21], [sflag:$0x1] =	stream.indirect_vreg.gather [hbm4b:s5+s2], $0x80, v4, vm0, $0xb8;
	[tilespmem:$0x11000] =	vst v63  }
0xc8: {  	s21 =	simm.s32 $0x4000  }
0xc9: {  	[tilespmem:s21], [sflag:$0x1] =	stream.indirect_vreg.gather [hbm4b:s3+s2], $0x80, v3, vm0, $0xb8;
	[tilespmem:$0x11000] =	vst v63  }
0xca: {  	s21 =	simm.s32 $0x4800  }
0xcb: {  	[tilespmem:s21], [sflag:$0x1] =	stream.indirect_vreg.gather [hbm4b:s5+s2], $0x80, v3, vm0, $0xb8;
	[tilespmem:$0x11000] =	vst v63  }
0xcc: {  	v3 =	vld [tilespmem:s18+$0x40];
	_ =	sdelay $0x4  }
0xcd: {  	v62 =	vshll.u32 v3, $0x2  }
0xce: {  	v3 =	vand.u32 $0x7, v3;
	v4 =	vand.u32 $0xFFFFFFE0, v62  }
0xcf: {  	v3 =	vor.u32 v3, v4  }
0xd0: {  	v4 =	vperm.xlane v3, v0;
	_ =	sdelay $0x1  }
0xd1: {  	v4 =	vadd.s32 v1, v4;
	_ =	sdelay $0x1  }
0xd2: {  	v3 =	vperm.xlane v3, v2;
	_ =	sdelay $0x1  }
0xd3: {  	s21 =	simm.s32 $0x5000;
	v3 =	vadd.s32 v1, v3  }
0xd4: {  	[tilespmem:s21], [sflag:$0x1] =	stream.indirect_vreg.gather [hbm4b:s3+s2], $0x80, v4, vm0, $0xb8;
	[tilespmem:$0x11000] =	vst v63  }
0xd5: {  	s21 =	simm.s32 $0x5800  }
0xd6: {  	[tilespmem:s21], [sflag:$0x1] =	stream.indirect_vreg.gather [hbm4b:s5+s2], $0x80, v4, vm0, $0xb8;
	[tilespmem:$0x11000] =	vst v63  }
0xd7: {  	s21 =	simm.s32 $0x6000  }
0xd8: {  	[tilespmem:s21], [sflag:$0x1] =	stream.indirect_vreg.gather [hbm4b:s3+s2], $0x80, v3, vm0, $0xb8;
	[tilespmem:$0x11000] =	vst v63  }
0xd9: {  	s21 =	simm.s32 $0x6800  }
0xda: {  	[tilespmem:s21], [sflag:$0x1] =	stream.indirect_vreg.gather [hbm4b:s5+s2], $0x80, v3, vm0, $0xb8;
	[tilespmem:$0x11000] =	vst v63  }
0xdb: {  	v3 =	vld [tilespmem:s18+$0x50];
	_ =	sdelay $0x4  }
0xdc: {  	v63 =	vshll.u32 v3, $0x2  }
0xdd: {  	v3 =	vand.u32 $0x7, v3;
	v4 =	vand.u32 $0xFFFFFFE0, v63  }
0xde: {  	v3 =	vor.u32 v3, v4  }
0xdf: {  	v4 =	vperm.xlane v3, v0;
	_ =	sdelay $0x1  }
0xe0: {  	v4 =	vadd.s32 v1, v4;
	_ =	sdelay $0x2  }
0xe1: {  	v3 =	vperm.xlane v3, v2  }
0xe2: {  	s21 =	simm.s32 $0x7000  }
0xe3: {  	v3 =	vadd.s32 v1, v3;
	[tilespmem:s21], [sflag:$0x1] =	stream.indirect_vreg.gather [hbm4b:s3+s2], $0x80, v4, vm0, $0xb8;
	[tilespmem:$0x11000] =	vst v63  }
0xe4: {  	_ = 	snop  }
0xe5: {  	[tilespmem:s22], [sflag:$0x1] =	stream.indirect_vreg.gather [hbm4b:s5+s2], $0x80, v4, vm0, $0xb8;
	[tilespmem:$0x11000] =	vst v63  }
.Ltmp5:
0xe6: {  	_ = 	snop;
	(pc) =	sbr.rel .LBB2_4-.Ltmp5, $4  }
0xe7: {  	_ = 	snop  }
0xe8: {  	[tilespmem:s23], [sflag:$0x1] =	stream.indirect_vreg.gather [hbm4b:s3+s2], $0x80, v3, vm0, $0xb8;
	[tilespmem:$0x11000] =	vst v63  }
0xe9: {  	_ = 	snop  }
0xea: {  	[tilespmem:s24], [sflag:$0x1] =	stream.indirect_vreg.gather [hbm4b:s5+s2], $0x80, v3, vm0, $0xb8;
	[tilespmem:$0x11000] =	vst v63  }
.LBB2_6:
0xeb: {  	_ =	sfence.sel $0x180000  }
0xec: {  	[bflag:$0x0] =	sbarrier.arrive $0xFFFF  }
0xed: {  	_ =	strace $0x90000047  }
0xee: {  	s0 =	stileid.u32;
	[bflag:$0x2] =	sbarrier.arrive $0xFFFF  }
0xef: {  	p0 =	sne.s32 s0, $0x0;
	s0 =	rddreg [dreg:$0x2]  }
0xf0: {  	s0 =	sadd.s32 @!p0 $0x100000, s0  }
0xf1: {  	[sflag:s0] =	ssyncadd.tile.s32 @!p0 $0x1;
	_ =	shalt  }
.Lfunc_end2:
_tile_overlayer_lowered:
.L_overlay_start_2:
0xf2: {  	(tag) =	ssettag $0x2  }
0xf3: {  	s0 =	rddreg [dreg:$0x0];
	s2 =	stileid.u32  }
0xf4: {  	s1 =	rddreg [dreg:$0x1];
	p0 =	sne.s32 s2, $0x0  }
0xf5: {  	s3 =	rddreg [dreg:$0x2];
	[bflag:$0x3] =	sbarrier.arrive $0xFFFF;
	s2 =	simm.s32 @!p0 $0x1C05  }
0xf6: {  	[timem:s3], [sflag:s2] =	dma.local @!p0 [hbm:s0], s1  }
0xf7: {  	s0 =	simm.s32 @!p0 $0x5  }
0xf8: {  	_ =	swait.ge @!p0 [sflag:s0], s1  }
0xf9: {  	s1 =	ssub.s32 @!p0 $0x0, s1;
	[sflag:s0] =	ssyncset.done @!p0 $0x0  }
0xfa: {  	[sflag:s0] =	ssyncadd.s32 @!p0 s1  }
0xfb: {  	[bflag:$0x3] =	sbarrier.arrive $0xFFFF  }
0xfc: {  	_ =	shalt  }

</sc_bundles>
